<compile_context>
chip_gen: v7x
topology: tpu7x:2x2x1
jax: 0.10.2.dev20260603
libtpu: 0.0.44.dev20260713+nightly
codegen_flags: <defaults>
</compile_context>

<pallas_src>
import functools

import jax
import jax.numpy as jnp
from jax import lax
from jax.experimental import pallas as pl
from jax.experimental.pallas import tpu as pltpu
from jax.experimental.pallas import tpu_sc as plsc

_EMBED_DIM = 32

_info = plsc.get_sparse_core_info()
_NC, _NS = _info.num_cores, _info.num_subcores
_NW = _NC * _NS

_CHUNK = 1600
_NBUF = 2


def _gather_kernel(n_flat, n_chunks):
    mesh = plsc.VectorSubcoreMesh(core_axis_name="c", subcore_axis_name="s")
    b_per_w = n_flat // _NW

    @functools.partial(
        pl.kernel,
        out_type=jax.ShapeDtypeStruct((n_flat, _EMBED_DIM), jnp.float32),
        mesh=mesh,
        scratch_types=[
            pltpu.VMEM((b_per_w,), jnp.int32),
            pltpu.VMEM((_NBUF, _CHUNK, _EMBED_DIM), jnp.float32),
            pltpu.SemaphoreType.DMA,
            [pltpu.SemaphoreType.DMA] * _NBUF,
            [pltpu.SemaphoreType.DMA] * _NBUF,
        ],
        compiler_params=pltpu.CompilerParams(use_tc_tiling_on_sc=False),
    )
    def k(idx_hbm, table_hbm, out_hbm, idx_v, rows_v, idx_sem, g_sems,
          w_sems):
        wid = lax.axis_index("s") * _NC + lax.axis_index("c")
        base = wid * b_per_w

        def off(i):
            return pl.multiple_of(base + i * _CHUNK, _CHUNK)

        def fire_gather(i):
            b = i % _NBUF
            pltpu.async_copy(
                table_hbm.at[idx_v.at[pl.ds(i * _CHUNK, _CHUNK)]],
                rows_v.at[b], g_sems[b])

        def wait_gather(i):
            b = i % _NBUF
            pltpu.make_async_copy(
                table_hbm.at[idx_v.at[pl.ds(i * _CHUNK, _CHUNK)]],
                rows_v.at[b], g_sems[b]).wait()

        def fire_wb(i):
            b = i % _NBUF
            pltpu.async_copy(rows_v.at[b], out_hbm.at[pl.ds(off(i), _CHUNK)],
                             w_sems[b])

        def wait_wb(i):
            b = i % _NBUF
            pltpu.make_async_copy(rows_v.at[b],
                                  out_hbm.at[pl.ds(off(i), _CHUNK)],
                                  w_sems[b]).wait()

        pltpu.sync_copy(idx_hbm.at[pl.ds(pl.multiple_of(base, _CHUNK),
                                         b_per_w)], idx_v)

        for i in range(n_chunks):
            fire_gather(i)
            if i > 0:
                wait_gather(i - 1)
                fire_wb(i - 1)
                if i + 1 < n_chunks:
                    wait_wb(i - 1)
        wait_gather(n_chunks - 1)
        fire_wb(n_chunks - 1)
        if n_chunks > 1:
            wait_wb(n_chunks - 2)
        wait_wb(n_chunks - 1)

    return k


def kernel(card_indices, table):
    batch, hist = card_indices.shape
    n_flat = batch * hist
    idx_flat = card_indices.reshape(n_flat).astype(jnp.int32)
    n_chunks = n_flat // (_NW * _CHUNK)
    out = _gather_kernel(n_flat, n_chunks)(idx_flat, table)
    return out.reshape(batch, hist, _EMBED_DIM)

# --- scband reference (transcript-rebuilt; emitter-appended) ---
"""Pipeline reference for scband-card-embedding-7911329759933 (READ-ONLY COPY).

The authoritative reference and input builder live on the scoring server;
editing this copy changes nothing except your own understanding.
"""

import jax, jax.numpy as jnp
import numpy as np

NUM_CARDS = 100000
EMBED_DIM = 32
BATCH = 16384
HIST = 50

def setup_inputs(seed: int = 0) -> dict:
    key = jax.random.key(seed)
    k_idx, k_tab = jax.random.split(key)
    card_indices = jax.random.randint(k_idx, (BATCH, HIST), 0, NUM_CARDS, dtype=jnp.int64 if jax.config.read('jax_enable_x64') else jnp.int32)
    table = jax.random.normal(k_tab, (NUM_CARDS, EMBED_DIM), dtype=jnp.float32)
    return {"card_indices": card_indices, "table": table}

def reference(card_indices, table):
    # nn.Embedding forward: gather rows of the embedding table
    return jnp.take(table, card_indices, axis=0)

if __name__ == "__main__":
    import jax
    _d = setup_inputs()
    print(jax.jit(kernel)(*tuple(_d.values())))

</pallas_src>

<mosaic_0001>
#map = affine_map<(d0, d1) -> (0)>
#map1 = affine_map<(d0, d1) -> (0, 0)>
module attributes {stable_mosaic.version = 14 : i64} {
  func.func @k(%arg0: i32, %arg1: i32, %arg2: memref<819200xi32, #tpu.memory_space<hbm>>, %arg3: memref<100000x32xf32, #tpu.memory_space<hbm>>, %arg4: memref<819200x32xf32, #tpu.memory_space<hbm>>, %arg5: memref<25600xi32, #tpu.memory_space<vmem>>, %arg6: memref<2x1600x32xf32, #tpu.memory_space<vmem>>, %arg7: memref<!tpu.dma_semaphore, #tpu.memory_space<semaphore_mem>>, %arg8: memref<!tpu.dma_semaphore, #tpu.memory_space<semaphore_mem>>, %arg9: memref<!tpu.dma_semaphore, #tpu.memory_space<semaphore_mem>>, %arg10: memref<!tpu.dma_semaphore, #tpu.memory_space<semaphore_mem>>, %arg11: memref<!tpu.dma_semaphore, #tpu.memory_space<semaphore_mem>>) attributes {dimension_semantics = [#tpu.dimension_semantics<core_parallel>, #tpu.dimension_semantics<subcore_parallel>], iteration_bounds = array<i64: 2, 16>, scalar_prefetch = 0 : i64, scratch_operands = 7 : i64, tpu.core_type = #tpu.core_type<sc_vector_subcore>, window_params = [{transform_indices = #map}, {transform_indices = #map1}, {transform_indices = #map1}]} {
    %mul3A = arith.constant 2 : i32
    %mul3A_0 = arith.muli %arg1, %mul3A : i32
    %add3A = arith.addi %mul3A_0, %arg0 : i32
    %mul3A_1 = arith.constant 25600 : i32
    %mul3A_2 = arith.muli %add3A, %mul3A_1 : i32
    %multiple_of3A = tpu.assume_multiple %mul3A_2, 1600 : i32
    "tpu.region"() ({
      %run_scoped3A = tpu.sem_alloc : memref<!tpu.dma_semaphore, #tpu.memory_space<semaphore_mem>>
      %dma_start3A_833 = tpu.memref_slice %arg2[%multiple_of3A] : memref<819200xi32, #tpu.memory_space<hbm>> -> memref<25600xi32, #tpu.memory_space<hbm>>
      %dma_start3A_834 = tpu.memref_slice %arg2[%multiple_of3A] : memref<819200xi32, #tpu.memory_space<hbm>> -> memref<25600xi32, #tpu.memory_space<hbm>>
      tpu.enqueue_dma source(%dma_start3A_834 : memref<25600xi32, #tpu.memory_space<hbm>>) target(%arg5 : memref<25600xi32, #tpu.memory_space<vmem>>) target_semaphore(%run_scoped3A : memref<!tpu.dma_semaphore, #tpu.memory_space<semaphore_mem>>)
      %dma_wait3A_835 = tpu.memref_slice %arg2[%multiple_of3A] : memref<819200xi32, #tpu.memory_space<hbm>> -> memref<25600xi32, #tpu.memory_space<hbm>>
      %dma_wait3A_836 = tpu.memref_slice %arg2[%multiple_of3A] : memref<819200xi32, #tpu.memory_space<hbm>> -> memref<25600xi32, #tpu.memory_space<hbm>>
      tpu.wait_dma2 semaphore(%run_scoped3A : memref<!tpu.dma_semaphore, #tpu.memory_space<semaphore_mem>>) src(%dma_wait3A_836 : memref<25600xi32, #tpu.memory_space<hbm>>) dst(%arg5 : memref<25600xi32, #tpu.memory_space<vmem>>)
      tpu.yield
    }) : () -> ()
    %dma_start3A = arith.constant 0 : i32
    %dma_start3A_3 = arith.constant 0 : i32
    %dma_start3A_4 = arith.constant 0 : i32
    %dma_start3A_5 = tpu.memref_slice %arg6[%dma_start3A, %dma_start3A_3, %dma_start3A_4] : memref<2x1600x32xf32, #tpu.memory_space<vmem>> -> memref<1x1600x32xf32, #tpu.memory_space<vmem>>
    %dma_start3A_6 = tpu.memref_squeeze %dma_start3A_5 : memref<1x1600x32xf32, #tpu.memory_space<vmem>> -> memref<1600x32xf32, #tpu.memory_space<vmem>>
    %dma_start3A_7 = arith.constant 0 : i32
    %dma_start3A_8 = tpu.memref_slice %arg5[%dma_start3A_7] : memref<25600xi32, #tpu.memory_space<vmem>> -> memref<1600xi32, #tpu.memory_space<vmem>>
    %dma_start3A_9 = arith.constant 0 : i32
    %dma_start3A_10 = arith.constant 0 : i32
    %dma_start3A_11 = tpu.memref_slice %arg3[%dma_start3A_9, %dma_start3A_10] : memref<100000x32xf32, #tpu.memory_space<hbm>> -> memref<100000x32xf32, #tpu.memory_space<hbm>>
    tpu.enqueue_indirect_dma source(%dma_start3A_11 : memref<100000x32xf32, #tpu.memory_space<hbm>>) target(%dma_start3A_6 : memref<1600x32xf32, #tpu.memory_space<vmem>>) offsets(%dma_start3A_8 : memref<1600xi32, #tpu.memory_space<vmem>>) semaphore(%arg8 : memref<!tpu.dma_semaphore, #tpu.memory_space<semaphore_mem>>)
    %dma_start3A_12 = arith.constant 1 : i32
    %dma_start3A_13 = arith.constant 0 : i32
    %dma_start3A_14 = arith.constant 0 : i32
    %dma_start3A_15 = tpu.memref_slice %arg6[%dma_start3A_12, %dma_start3A_13, %dma_start3A_14] : memref<2x1600x32xf32, #tpu.memory_space<vmem>> -> memref<1x1600x32xf32, #tpu.memory_space<vmem>>
    %dma_start3A_16 = tpu.memref_squeeze %dma_start3A_15 : memref<1x1600x32xf32, #tpu.memory_space<vmem>> -> memref<1600x32xf32, #tpu.memory_space<vmem>>
    %dma_start3A_17 = arith.constant 1600 : i32
    %dma_start3A_18 = tpu.memref_slice %arg5[%dma_start3A_17] : memref<25600xi32, #tpu.memory_space<vmem>> -> memref<1600xi32, #tpu.memory_space<vmem>>
    %dma_start3A_19 = arith.constant 0 : i32
    %dma_start3A_20 = arith.constant 0 : i32
    %dma_start3A_21 = tpu.memref_slice %arg3[%dma_start3A_19, %dma_start3A_20] : memref<100000x32xf32, #tpu.memory_space<hbm>> -> memref<100000x32xf32, #tpu.memory_space<hbm>>
    tpu.enqueue_indirect_dma source(%dma_start3A_21 : memref<100000x32xf32, #tpu.memory_space<hbm>>) target(%dma_start3A_16 : memref<1600x32xf32, #tpu.memory_space<vmem>>) offsets(%dma_start3A_18 : memref<1600xi32, #tpu.memory_space<vmem>>) semaphore(%arg9 : memref<!tpu.dma_semaphore, #tpu.memory_space<semaphore_mem>>)
    %dma_wait3A = arith.constant 0 : i32
    %dma_wait3A_22 = arith.constant 0 : i32
    %dma_wait3A_23 = arith.constant 0 : i32
    %dma_wait3A_24 = tpu.memref_slice %arg6[%dma_wait3A, %dma_wait3A_22, %dma_wait3A_23] : memref<2x1600x32xf32, #tpu.memory_space<vmem>> -> memref<1x1600x32xf32, #tpu.memory_space<vmem>>
    %dma_wait3A_25 = tpu.memref_squeeze %dma_wait3A_24 : memref<1x1600x32xf32, #tpu.memory_space<vmem>> -> memref<1600x32xf32, #tpu.memory_space<vmem>>
    %dma_wait3A_26 = arith.constant 0 : i32
    %dma_wait3A_27 = tpu.memref_slice %arg5[%dma_wait3A_26] : memref<25600xi32, #tpu.memory_space<vmem>> -> memref<1600xi32, #tpu.memory_space<vmem>>
    %dma_wait3A_28 = arith.constant 0 : i32
    %dma_wait3A_29 = arith.constant 0 : i32
    %dma_wait3A_30 = tpu.memref_slice %arg3[%dma_wait3A_28, %dma_wait3A_29] : memref<100000x32xf32, #tpu.memory_space<hbm>> -> memref<100000x32xf32, #tpu.memory_space<hbm>>
    tpu.wait_indirect_dma semaphore(%arg8 : memref<!tpu.dma_semaphore, #tpu.memory_space<semaphore_mem>>) src(%dma_wait3A_30 : memref<100000x32xf32, #tpu.memory_space<hbm>>) dst(%dma_wait3A_25 : memref<1600x32xf32, #tpu.memory_space<vmem>>)
    %add3A_31 = arith.constant 0 : i32
    %add3A_32 = arith.addi %mul3A_2, %add3A_31 : i32
    %multiple_of3A_33 = tpu.assume_multiple %add3A_32, 1600 : i32
    %dma_start3A_34 = arith.constant 0 : i32
    %dma_start3A_35 = arith.constant 0 : i32
    %dma_start3A_36 = arith.constant 0 : i32
    %dma_start3A_37 = tpu.memref_slice %arg6[%dma_start3A_34, %dma_start3A_35, %dma_start3A_36] : memref<2x1600x32xf32, #tpu.memory_space<vmem>> -> memref<1x1600x32xf32, #tpu.memory_space<vmem>>
    %dma_start3A_38 = tpu.memref_squeeze %dma_start3A_37 : memref<1x1600x32xf32, #tpu.memory_space<vmem>> -> memref<1600x32xf32, #tpu.memory_space<vmem>>
    %dma_start3A_39 = arith.constant 0 : i32
    %dma_start3A_40 = tpu.memref_slice %arg4[%multiple_of3A_33, %dma_start3A_39] : memref<819200x32xf32, #tpu.memory_space<hbm>> -> memref<1600x32xf32, #tpu.memory_space<hbm>>
    %dma_start3A_41 = arith.constant 0 : i32
    %dma_start3A_42 = tpu.memref_slice %arg4[%multiple_of3A_33, %dma_start3A_41] : memref<819200x32xf32, #tpu.memory_space<hbm>> -> memref<1600x32xf32, #tpu.memory_space<hbm>>
    %dma_start3A_43 = arith.constant 0 : i32
    %dma_start3A_44 = arith.constant 0 : i32
    %dma_start3A_45 = tpu.memref_slice %arg6[%dma_start3A_34, %dma_start3A_43, %dma_start3A_44] : memref<2x1600x32xf32, #tpu.memory_space<vmem>> -> memref<1x1600x32xf32, #tpu.memory_space<vmem>>
    %dma_start3A_46 = tpu.memref_squeeze %dma_start3A_45 : memref<1x1600x32xf32, #tpu.memory_space<vmem>> -> memref<1600x32xf32, #tpu.memory_space<vmem>>
    tpu.enqueue_dma source(%dma_start3A_46 : memref<1600x32xf32, #tpu.memory_space<vmem>>) target(%dma_start3A_42 : memref<1600x32xf32, #tpu.memory_space<hbm>>) target_semaphore(%arg10 : memref<!tpu.dma_semaphore, #tpu.memory_space<semaphore_mem>>)
    %add3A_47 = arith.constant 0 : i32
    %add3A_48 = arith.addi %mul3A_2, %add3A_47 : i32
    %multiple_of3A_49 = tpu.assume_multiple %add3A_48, 1600 : i32
    %dma_wait3A_50 = arith.constant 0 : i32
    %dma_wait3A_51 = arith.constant 0 : i32
    %dma_wait3A_52 = arith.constant 0 : i32
    %dma_wait3A_53 = tpu.memref_slice %arg6[%dma_wait3A_50, %dma_wait3A_51, %dma_wait3A_52] : memref<2x1600x32xf32, #tpu.memory_space<vmem>> -> memref<1x1600x32xf32, #tpu.memory_space<vmem>>
    %dma_wait3A_54 = tpu.memref_squeeze %dma_wait3A_53 : memref<1x1600x32xf32, #tpu.memory_space<vmem>> -> memref<1600x32xf32, #tpu.memory_space<vmem>>
    %dma_wait3A_55 = arith.constant 0 : i32
    %dma_wait3A_56 = tpu.memref_slice %arg4[%multiple_of3A_49, %dma_wait3A_55] : memref<819200x32xf32, #tpu.memory_space<hbm>> -> memref<1600x32xf32, #tpu.memory_space<hbm>>
    %dma_wait3A_57 = arith.constant 0 : i32
    %dma_wait3A_58 = tpu.memref_slice %arg4[%multiple_of3A_49, %dma_wait3A_57] : memref<819200x32xf32, #tpu.memory_space<hbm>> -> memref<1600x32xf32, #tpu.memory_space<hbm>>
    %dma_wait3A_59 = arith.constant 0 : i32
    %dma_wait3A_60 = arith.constant 0 : i32
    %dma_wait3A_61 = tpu.memref_slice %arg6[%dma_wait3A_50, %dma_wait3A_59, %dma_wait3A_60] : memref<2x1600x32xf32, #tpu.memory_space<vmem>> -> memref<1x1600x32xf32, #tpu.memory_space<vmem>>
    %dma_wait3A_62 = tpu.memref_squeeze %dma_wait3A_61 : memref<1x1600x32xf32, #tpu.memory_space<vmem>> -> memref<1600x32xf32, #tpu.memory_space<vmem>>
    tpu.wait_dma2 semaphore(%arg10 : memref<!tpu.dma_semaphore, #tpu.memory_space<semaphore_mem>>) src(%dma_wait3A_62 : memref<1600x32xf32, #tpu.memory_space<vmem>>) dst(%dma_wait3A_58 : memref<1600x32xf32, #tpu.memory_space<hbm>>)
    %dma_start3A_63 = arith.constant 0 : i32
    %dma_start3A_64 = arith.constant 0 : i32
    %dma_start3A_65 = arith.constant 0 : i32
    %dma_start3A_66 = tpu.memref_slice %arg6[%dma_start3A_63, %dma_start3A_64, %dma_start3A_65] : memref<2x1600x32xf32, #tpu.memory_space<vmem>> -> memref<1x1600x32xf32, #tpu.memory_space<vmem>>
    %dma_start3A_67 = tpu.memref_squeeze %dma_start3A_66 : memref<1x1600x32xf32, #tpu.memory_space<vmem>> -> memref<1600x32xf32, #tpu.memory_space<vmem>>
    %dma_start3A_68 = arith.constant 3200 : i32
    %dma_start3A_69 = tpu.memref_slice %arg5[%dma_start3A_68] : memref<25600xi32, #tpu.memory_space<vmem>> -> memref<1600xi32, #tpu.memory_space<vmem>>
    %dma_start3A_70 = arith.constant 0 : i32
    %dma_start3A_71 = arith.constant 0 : i32
    %dma_start3A_72 = tpu.memref_slice %arg3[%dma_start3A_70, %dma_start3A_71] : memref<100000x32xf32, #tpu.memory_space<hbm>> -> memref<100000x32xf32, #tpu.memory_space<hbm>>
    tpu.enqueue_indirect_dma source(%dma_start3A_72 : memref<100000x32xf32, #tpu.memory_space<hbm>>) target(%dma_start3A_67 : memref<1600x32xf32, #tpu.memory_space<vmem>>) offsets(%dma_start3A_69 : memref<1600xi32, #tpu.memory_space<vmem>>) semaphore(%arg8 : memref<!tpu.dma_semaphore, #tpu.memory_space<semaphore_mem>>)
    %dma_wait3A_73 = arith.constant 1 : i32
    %dma_wait3A_74 = arith.constant 0 : i32
    %dma_wait3A_75 = arith.constant 0 : i32
    %dma_wait3A_76 = tpu.memref_slice %arg6[%dma_wait3A_73, %dma_wait3A_74, %dma_wait3A_75] : memref<2x1600x32xf32, #tpu.memory_space<vmem>> -> memref<1x1600x32xf32, #tpu.memory_space<vmem>>
    %dma_wait3A_77 = tpu.memref_squeeze %dma_wait3A_76 : memref<1x1600x32xf32, #tpu.memory_space<vmem>> -> memref<1600x32xf32, #tpu.memory_space<vmem>>
    %dma_wait3A_78 = arith.constant 1600 : i32
    %dma_wait3A_79 = tpu.memref_slice %arg5[%dma_wait3A_78] : memref<25600xi32, #tpu.memory_space<vmem>> -> memref<1600xi32, #tpu.memory_space<vmem>>
    %dma_wait3A_80 = arith.constant 0 : i32
    %dma_wait3A_81 = arith.constant 0 : i32
    %dma_wait3A_82 = tpu.memref_slice %arg3[%dma_wait3A_80, %dma_wait3A_81] : memref<100000x32xf32, #tpu.memory_space<hbm>> -> memref<100000x32xf32, #tpu.memory_space<hbm>>
    tpu.wait_indirect_dma semaphore(%arg9 : memref<!tpu.dma_semaphore, #tpu.memory_space<semaphore_mem>>) src(%dma_wait3A_82 : memref<100000x32xf32, #tpu.memory_space<hbm>>) dst(%dma_wait3A_77 : memref<1600x32xf32, #tpu.memory_space<vmem>>)
    %add3A_83 = arith.constant 1600 : i32
    %add3A_84 = arith.addi %mul3A_2, %add3A_83 : i32
    %multiple_of3A_85 = tpu.assume_multiple %add3A_84, 1600 : i32
    %dma_start3A_86 = arith.constant 1 : i32
    %dma_start3A_87 = arith.constant 0 : i32
    %dma_start3A_88 = arith.constant 0 : i32
    %dma_start3A_89 = tpu.memref_slice %arg6[%dma_start3A_86, %dma_start3A_87, %dma_start3A_88] : memref<2x1600x32xf32, #tpu.memory_space<vmem>> -> memref<1x1600x32xf32, #tpu.memory_space<vmem>>
    %dma_start3A_90 = tpu.memref_squeeze %dma_start3A_89 : memref<1x1600x32xf32, #tpu.memory_space<vmem>> -> memref<1600x32xf32, #tpu.memory_space<vmem>>
    %dma_start3A_91 = arith.constant 0 : i32
    %dma_start3A_92 = tpu.memref_slice %arg4[%multiple_of3A_85, %dma_start3A_91] : memref<819200x32xf32, #tpu.memory_space<hbm>> -> memref<1600x32xf32, #tpu.memory_space<hbm>>
    %dma_start3A_93 = arith.constant 0 : i32
    %dma_start3A_94 = tpu.memref_slice %arg4[%multiple_of3A_85, %dma_start3A_93] : memref<819200x32xf32, #tpu.memory_space<hbm>> -> memref<1600x32xf32, #tpu.memory_space<hbm>>
    %dma_start3A_95 = arith.constant 0 : i32
    %dma_start3A_96 = arith.constant 0 : i32
    %dma_start3A_97 = tpu.memref_slice %arg6[%dma_start3A_86, %dma_start3A_95, %dma_start3A_96] : memref<2x1600x32xf32, #tpu.memory_space<vmem>> -> memref<1x1600x32xf32, #tpu.memory_space<vmem>>
    %dma_start3A_98 = tpu.memref_squeeze %dma_start3A_97 : memref<1x1600x32xf32, #tpu.memory_space<vmem>> -> memref<1600x32xf32, #tpu.memory_space<vmem>>
    tpu.enqueue_dma source(%dma_start3A_98 : memref<1600x32xf32, #tpu.memory_space<vmem>>) target(%dma_start3A_94 : memref<1600x32xf32, #tpu.memory_space<hbm>>) target_semaphore(%arg11 : memref<!tpu.dma_semaphore, #tpu.memory_space<semaphore_mem>>)
    %add3A_99 = arith.constant 1600 : i32
    %add3A_100 = arith.addi %mul3A_2, %add3A_99 : i32
    %multiple_of3A_101 = tpu.assume_multiple %add3A_100, 1600 : i32
    %dma_wait3A_102 = arith.constant 1 : i32
    %dma_wait3A_103 = arith.constant 0 : i32
    %dma_wait3A_104 = arith.constant 0 : i32
    %dma_wait3A_105 = tpu.memref_slice %arg6[%dma_wait3A_102, %dma_wait3A_103, %dma_wait3A_104] : memref<2x1600x32xf32, #tpu.memory_space<vmem>> -> memref<1x1600x32xf32, #tpu.memory_space<vmem>>
    %dma_wait3A_106 = tpu.memref_squeeze %dma_wait3A_105 : memref<1x1600x32xf32, #tpu.memory_space<vmem>> -> memref<1600x32xf32, #tpu.memory_space<vmem>>
    %dma_wait3A_107 = arith.constant 0 : i32
    %dma_wait3A_108 = tpu.memref_slice %arg4[%multiple_of3A_101, %dma_wait3A_107] : memref<819200x32xf32, #tpu.memory_space<hbm>> -> memref<1600x32xf32, #tpu.memory_space<hbm>>
    %dma_wait3A_109 = arith.constant 0 : i32
    %dma_wait3A_110 = tpu.memref_slice %arg4[%multiple_of3A_101, %dma_wait3A_109] : memref<819200x32xf32, #tpu.memory_space<hbm>> -> memref<1600x32xf32, #tpu.memory_space<hbm>>
    %dma_wait3A_111 = arith.constant 0 : i32
    %dma_wait3A_112 = arith.constant 0 : i32
    %dma_wait3A_113 = tpu.memref_slice %arg6[%dma_wait3A_102, %dma_wait3A_111, %dma_wait3A_112] : memref<2x1600x32xf32, #tpu.memory_space<vmem>> -> memref<1x1600x32xf32, #tpu.memory_space<vmem>>
    %dma_wait3A_114 = tpu.memref_squeeze %dma_wait3A_113 : memref<1x1600x32xf32, #tpu.memory_space<vmem>> -> memref<1600x32xf32, #tpu.memory_space<vmem>>
    tpu.wait_dma2 semaphore(%arg11 : memref<!tpu.dma_semaphore, #tpu.memory_space<semaphore_mem>>) src(%dma_wait3A_114 : memref<1600x32xf32, #tpu.memory_space<vmem>>) dst(%dma_wait3A_110 : memref<1600x32xf32, #tpu.memory_space<hbm>>)
    %dma_start3A_115 = arith.constant 1 : i32
    %dma_start3A_116 = arith.constant 0 : i32
    %dma_start3A_117 = arith.constant 0 : i32
    %dma_start3A_118 = tpu.memref_slice %arg6[%dma_start3A_115, %dma_start3A_116, %dma_start3A_117] : memref<2x1600x32xf32, #tpu.memory_space<vmem>> -> memref<1x1600x32xf32, #tpu.memory_space<vmem>>
    %dma_start3A_119 = tpu.memref_squeeze %dma_start3A_118 : memref<1x1600x32xf32, #tpu.memory_space<vmem>> -> memref<1600x32xf32, #tpu.memory_space<vmem>>
    %dma_start3A_120 = arith.constant 4800 : i32
    %dma_start3A_121 = tpu.memref_slice %arg5[%dma_start3A_120] : memref<25600xi32, #tpu.memory_space<vmem>> -> memref<1600xi32, #tpu.memory_space<vmem>>
    %dma_start3A_122 = arith.constant 0 : i32
    %dma_start3A_123 = arith.constant 0 : i32
    %dma_start3A_124 = tpu.memref_slice %arg3[%dma_start3A_122, %dma_start3A_123] : memref<100000x32xf32, #tpu.memory_space<hbm>> -> memref<100000x32xf32, #tpu.memory_space<hbm>>
    tpu.enqueue_indirect_dma source(%dma_start3A_124 : memref<100000x32xf32, #tpu.memory_space<hbm>>) target(%dma_start3A_119 : memref<1600x32xf32, #tpu.memory_space<vmem>>) offsets(%dma_start3A_121 : memref<1600xi32, #tpu.memory_space<vmem>>) semaphore(%arg9 : memref<!tpu.dma_semaphore, #tpu.memory_space<semaphore_mem>>)
    %dma_wait3A_125 = arith.constant 0 : i32
    %dma_wait3A_126 = arith.constant 0 : i32
    %dma_wait3A_127 = arith.constant 0 : i32
    %dma_wait3A_128 = tpu.memref_slice %arg6[%dma_wait3A_125, %dma_wait3A_126, %dma_wait3A_127] : memref<2x1600x32xf32, #tpu.memory_space<vmem>> -> memref<1x1600x32xf32, #tpu.memory_space<vmem>>
    %dma_wait3A_129 = tpu.memref_squeeze %dma_wait3A_128 : memref<1x1600x32xf32, #tpu.memory_space<vmem>> -> memref<1600x32xf32, #tpu.memory_space<vmem>>
    %dma_wait3A_130 = arith.constant 3200 : i32
    %dma_wait3A_131 = tpu.memref_slice %arg5[%dma_wait3A_130] : memref<25600xi32, #tpu.memory_space<vmem>> -> memref<1600xi32, #tpu.memory_space<vmem>>
    %dma_wait3A_132 = arith.constant 0 : i32
    %dma_wait3A_133 = arith.constant 0 : i32
    %dma_wait3A_134 = tpu.memref_slice %arg3[%dma_wait3A_132, %dma_wait3A_133] : memref<100000x32xf32, #tpu.memory_space<hbm>> -> memref<100000x32xf32, #tpu.memory_space<hbm>>
    tpu.wait_indirect_dma semaphore(%arg8 : memref<!tpu.dma_semaphore, #tpu.memory_space<semaphore_mem>>) src(%dma_wait3A_134 : memref<100000x32xf32, #tpu.memory_space<hbm>>) dst(%dma_wait3A_129 : memref<1600x32xf32, #tpu.memory_space<vmem>>)
    %add3A_135 = arith.constant 3200 : i32
    %add3A_136 = arith.addi %mul3A_2, %add3A_135 : i32
    %multiple_of3A_137 = tpu.assume_multiple %add3A_136, 1600 : i32
    %dma_start3A_138 = arith.constant 0 : i32
    %dma_start3A_139 = arith.constant 0 : i32
    %dma_start3A_140 = arith.constant 0 : i32
    %dma_start3A_141 = tpu.memref_slice %arg6[%dma_start3A_138, %dma_start3A_139, %dma_start3A_140] : memref<2x1600x32xf32, #tpu.memory_space<vmem>> -> memref<1x1600x32xf32, #tpu.memory_space<vmem>>
    %dma_start3A_142 = tpu.memref_squeeze %dma_start3A_141 : memref<1x1600x32xf32, #tpu.memory_space<vmem>> -> memref<1600x32xf32, #tpu.memory_space<vmem>>
    %dma_start3A_143 = arith.constant 0 : i32
    %dma_start3A_144 = tpu.memref_slice %arg4[%multiple_of3A_137, %dma_start3A_143] : memref<819200x32xf32, #tpu.memory_space<hbm>> -> memref<1600x32xf32, #tpu.memory_space<hbm>>
    %dma_start3A_145 = arith.constant 0 : i32
    %dma_start3A_146 = tpu.memref_slice %arg4[%multiple_of3A_137, %dma_start3A_145] : memref<819200x32xf32, #tpu.memory_space<hbm>> -> memref<1600x32xf32, #tpu.memory_space<hbm>>
    %dma_start3A_147 = arith.constant 0 : i32
    %dma_start3A_148 = arith.constant 0 : i32
    %dma_start3A_149 = tpu.memref_slice %arg6[%dma_start3A_138, %dma_start3A_147, %dma_start3A_148] : memref<2x1600x32xf32, #tpu.memory_space<vmem>> -> memref<1x1600x32xf32, #tpu.memory_space<vmem>>
    %dma_start3A_150 = tpu.memref_squeeze %dma_start3A_149 : memref<1x1600x32xf32, #tpu.memory_space<vmem>> -> memref<1600x32xf32, #tpu.memory_space<vmem>>
    tpu.enqueue_dma source(%dma_start3A_150 : memref<1600x32xf32, #tpu.memory_space<vmem>>) target(%dma_start3A_146 : memref<1600x32xf32, #tpu.memory_space<hbm>>) target_semaphore(%arg10 : memref<!tpu.dma_semaphore, #tpu.memory_space<semaphore_mem>>)
    %add3A_151 = arith.constant 3200 : i32
    %add3A_152 = arith.addi %mul3A_2, %add3A_151 : i32
    %multiple_of3A_153 = tpu.assume_multiple %add3A_152, 1600 : i32
    %dma_wait3A_154 = arith.constant 0 : i32
    %dma_wait3A_155 = arith.constant 0 : i32
    %dma_wait3A_156 = arith.constant 0 : i32
    %dma_wait3A_157 = tpu.memref_slice %arg6[%dma_wait3A_154, %dma_wait3A_155, %dma_wait3A_156] : memref<2x1600x32xf32, #tpu.memory_space<vmem>> -> memref<1x1600x32xf32, #tpu.memory_space<vmem>>
    %dma_wait3A_158 = tpu.memref_squeeze %dma_wait3A_157 : memref<1x1600x32xf32, #tpu.memory_space<vmem>> -> memref<1600x32xf32, #tpu.memory_space<vmem>>
    %dma_wait3A_159 = arith.constant 0 : i32
    %dma_wait3A_160 = tpu.memref_slice %arg4[%multiple_of3A_153, %dma_wait3A_159] : memref<819200x32xf32, #tpu.memory_space<hbm>> -> memref<1600x32xf32, #tpu.memory_space<hbm>>
    %dma_wait3A_161 = arith.constant 0 : i32
    %dma_wait3A_162 = tpu.memref_slice %arg4[%multiple_of3A_153, %dma_wait3A_161] : memref<819200x32xf32, #tpu.memory_space<hbm>> -> memref<1600x32xf32, #tpu.memory_space<hbm>>
    %dma_wait3A_163 = arith.constant 0 : i32
    %dma_wait3A_164 = arith.constant 0 : i32
    %dma_wait3A_165 = tpu.memref_slice %arg6[%dma_wait3A_154, %dma_wait3A_163, %dma_wait3A_164] : memref<2x1600x32xf32, #tpu.memory_space<vmem>> -> memref<1x1600x32xf32, #tpu.memory_space<vmem>>
    %dma_wait3A_166 = tpu.memref_squeeze %dma_wait3A_165 : memref<1x1600x32xf32, #tpu.memory_space<vmem>> -> memref<1600x32xf32, #tpu.memory_space<vmem>>
    tpu.wait_dma2 semaphore(%arg10 : memref<!tpu.dma_semaphore, #tpu.memory_space<semaphore_mem>>) src(%dma_wait3A_166 : memref<1600x32xf32, #tpu.memory_space<vmem>>) dst(%dma_wait3A_162 : memref<1600x32xf32, #tpu.memory_space<hbm>>)
    %dma_start3A_167 = arith.constant 0 : i32
    %dma_start3A_168 = arith.constant 0 : i32
    %dma_start3A_169 = arith.constant 0 : i32
    %dma_start3A_170 = tpu.memref_slice %arg6[%dma_start3A_167, %dma_start3A_168, %dma_start3A_169] : memref<2x1600x32xf32, #tpu.memory_space<vmem>> -> memref<1x1600x32xf32, #tpu.memory_space<vmem>>
    %dma_start3A_171 = tpu.memref_squeeze %dma_start3A_170 : memref<1x1600x32xf32, #tpu.memory_space<vmem>> -> memref<1600x32xf32, #tpu.memory_space<vmem>>
    %dma_start3A_172 = arith.constant 6400 : i32
    %dma_start3A_173 = tpu.memref_slice %arg5[%dma_start3A_172] : memref<25600xi32, #tpu.memory_space<vmem>> -> memref<1600xi32, #tpu.memory_space<vmem>>
    %dma_start3A_174 = arith.constant 0 : i32
    %dma_start3A_175 = arith.constant 0 : i32
    %dma_start3A_176 = tpu.memref_slice %arg3[%dma_start3A_174, %dma_start3A_175] : memref<100000x32xf32, #tpu.memory_space<hbm>> -> memref<100000x32xf32, #tpu.memory_space<hbm>>
    tpu.enqueue_indirect_dma source(%dma_start3A_176 : memref<100000x32xf32, #tpu.memory_space<hbm>>) target(%dma_start3A_171 : memref<1600x32xf32, #tpu.memory_space<vmem>>) offsets(%dma_start3A_173 : memref<1600xi32, #tpu.memory_space<vmem>>) semaphore(%arg8 : memref<!tpu.dma_semaphore, #tpu.memory_space<semaphore_mem>>)
    %dma_wait3A_177 = arith.constant 1 : i32
    %dma_wait3A_178 = arith.constant 0 : i32
    %dma_wait3A_179 = arith.constant 0 : i32
    %dma_wait3A_180 = tpu.memref_slice %arg6[%dma_wait3A_177, %dma_wait3A_178, %dma_wait3A_179] : memref<2x1600x32xf32, #tpu.memory_space<vmem>> -> memref<1x1600x32xf32, #tpu.memory_space<vmem>>
    %dma_wait3A_181 = tpu.memref_squeeze %dma_wait3A_180 : memref<1x1600x32xf32, #tpu.memory_space<vmem>> -> memref<1600x32xf32, #tpu.memory_space<vmem>>
    %dma_wait3A_182 = arith.constant 4800 : i32
    %dma_wait3A_183 = tpu.memref_slice %arg5[%dma_wait3A_182] : memref<25600xi32, #tpu.memory_space<vmem>> -> memref<1600xi32, #tpu.memory_space<vmem>>
    %dma_wait3A_184 = arith.constant 0 : i32
    %dma_wait3A_185 = arith.constant 0 : i32
    %dma_wait3A_186 = tpu.memref_slice %arg3[%dma_wait3A_184, %dma_wait3A_185] : memref<100000x32xf32, #tpu.memory_space<hbm>> -> memref<100000x32xf32, #tpu.memory_space<hbm>>
    tpu.wait_indirect_dma semaphore(%arg9 : memref<!tpu.dma_semaphore, #tpu.memory_space<semaphore_mem>>) src(%dma_wait3A_186 : memref<100000x32xf32, #tpu.memory_space<hbm>>) dst(%dma_wait3A_181 : memref<1600x32xf32, #tpu.memory_space<vmem>>)
    %add3A_187 = arith.constant 4800 : i32
    %add3A_188 = arith.addi %mul3A_2, %add3A_187 : i32
    %multiple_of3A_189 = tpu.assume_multiple %add3A_188, 1600 : i32
    %dma_start3A_190 = arith.constant 1 : i32
    %dma_start3A_191 = arith.constant 0 : i32
    %dma_start3A_192 = arith.constant 0 : i32
    %dma_start3A_193 = tpu.memref_slice %arg6[%dma_start3A_190, %dma_start3A_191, %dma_start3A_192] : memref<2x1600x32xf32, #tpu.memory_space<vmem>> -> memref<1x1600x32xf32, #tpu.memory_space<vmem>>
    %dma_start3A_194 = tpu.memref_squeeze %dma_start3A_193 : memref<1x1600x32xf32, #tpu.memory_space<vmem>> -> memref<1600x32xf32, #tpu.memory_space<vmem>>
    %dma_start3A_195 = arith.constant 0 : i32
    %dma_start3A_196 = tpu.memref_slice %arg4[%multiple_of3A_189, %dma_start3A_195] : memref<819200x32xf32, #tpu.memory_space<hbm>> -> memref<1600x32xf32, #tpu.memory_space<hbm>>
    %dma_start3A_197 = arith.constant 0 : i32
    %dma_start3A_198 = tpu.memref_slice %arg4[%multiple_of3A_189, %dma_start3A_197] : memref<819200x32xf32, #tpu.memory_space<hbm>> -> memref<1600x32xf32, #tpu.memory_space<hbm>>
    %dma_start3A_199 = arith.constant 0 : i32
    %dma_start3A_200 = arith.constant 0 : i32
    %dma_start3A_201 = tpu.memref_slice %arg6[%dma_start3A_190, %dma_start3A_199, %dma_start3A_200] : memref<2x1600x32xf32, #tpu.memory_space<vmem>> -> memref<1x1600x32xf32, #tpu.memory_space<vmem>>
    %dma_start3A_202 = tpu.memref_squeeze %dma_start3A_201 : memref<1x1600x32xf32, #tpu.memory_space<vmem>> -> memref<1600x32xf32, #tpu.memory_space<vmem>>
    tpu.enqueue_dma source(%dma_start3A_202 : memref<1600x32xf32, #tpu.memory_space<vmem>>) target(%dma_start3A_198 : memref<1600x32xf32, #tpu.memory_space<hbm>>) target_semaphore(%arg11 : memref<!tpu.dma_semaphore, #tpu.memory_space<semaphore_mem>>)
    %add3A_203 = arith.constant 4800 : i32
    %add3A_204 = arith.addi %mul3A_2, %add3A_203 : i32
    %multiple_of3A_205 = tpu.assume_multiple %add3A_204, 1600 : i32
    %dma_wait3A_206 = arith.constant 1 : i32
    %dma_wait3A_207 = arith.constant 0 : i32
    %dma_wait3A_208 = arith.constant 0 : i32
    %dma_wait3A_209 = tpu.memref_slice %arg6[%dma_wait3A_206, %dma_wait3A_207, %dma_wait3A_208] : memref<2x1600x32xf32, #tpu.memory_space<vmem>> -> memref<1x1600x32xf32, #tpu.memory_space<vmem>>
    %dma_wait3A_210 = tpu.memref_squeeze %dma_wait3A_209 : memref<1x1600x32xf32, #tpu.memory_space<vmem>> -> memref<1600x32xf32, #tpu.memory_space<vmem>>
    %dma_wait3A_211 = arith.constant 0 : i32
    %dma_wait3A_212 = tpu.memref_slice %arg4[%multiple_of3A_205, %dma_wait3A_211] : memref<819200x32xf32, #tpu.memory_space<hbm>> -> memref<1600x32xf32, #tpu.memory_space<hbm>>
    %dma_wait3A_213 = arith.constant 0 : i32
    %dma_wait3A_214 = tpu.memref_slice %arg4[%multiple_of3A_205, %dma_wait3A_213] : memref<819200x32xf32, #tpu.memory_space<hbm>> -> memref<1600x32xf32, #tpu.memory_space<hbm>>
    %dma_wait3A_215 = arith.constant 0 : i32
    %dma_wait3A_216 = arith.constant 0 : i32
    %dma_wait3A_217 = tpu.memref_slice %arg6[%dma_wait3A_206, %dma_wait3A_215, %dma_wait3A_216] : memref<2x1600x32xf32, #tpu.memory_space<vmem>> -> memref<1x1600x32xf32, #tpu.memory_space<vmem>>
    %dma_wait3A_218 = tpu.memref_squeeze %dma_wait3A_217 : memref<1x1600x32xf32, #tpu.memory_space<vmem>> -> memref<1600x32xf32, #tpu.memory_space<vmem>>
    tpu.wait_dma2 semaphore(%arg11 : memref<!tpu.dma_semaphore, #tpu.memory_space<semaphore_mem>>) src(%dma_wait3A_218 : memref<1600x32xf32, #tpu.memory_space<vmem>>) dst(%dma_wait3A_214 : memref<1600x32xf32, #tpu.memory_space<hbm>>)
    %dma_start3A_219 = arith.constant 1 : i32
    %dma_start3A_220 = arith.constant 0 : i32
    %dma_start3A_221 = arith.constant 0 : i32
    %dma_start3A_222 = tpu.memref_slice %arg6[%dma_start3A_219, %dma_start3A_220, %dma_start3A_221] : memref<2x1600x32xf32, #tpu.memory_space<vmem>> -> memref<1x1600x32xf32, #tpu.memory_space<vmem>>
    %dma_start3A_223 = tpu.memref_squeeze %dma_start3A_222 : memref<1x1600x32xf32, #tpu.memory_space<vmem>> -> memref<1600x32xf32, #tpu.memory_space<vmem>>
    %dma_start3A_224 = arith.constant 8000 : i32
    %dma_start3A_225 = tpu.memref_slice %arg5[%dma_start3A_224] : memref<25600xi32, #tpu.memory_space<vmem>> -> memref<1600xi32, #tpu.memory_space<vmem>>
    %dma_start3A_226 = arith.constant 0 : i32
    %dma_start3A_227 = arith.constant 0 : i32
    %dma_start3A_228 = tpu.memref_slice %arg3[%dma_start3A_226, %dma_start3A_227] : memref<100000x32xf32, #tpu.memory_space<hbm>> -> memref<100000x32xf32, #tpu.memory_space<hbm>>
    tpu.enqueue_indirect_dma source(%dma_start3A_228 : memref<100000x32xf32, #tpu.memory_space<hbm>>) target(%dma_start3A_223 : memref<1600x32xf32, #tpu.memory_space<vmem>>) offsets(%dma_start3A_225 : memref<1600xi32, #tpu.memory_space<vmem>>) semaphore(%arg9 : memref<!tpu.dma_semaphore, #tpu.memory_space<semaphore_mem>>)
    %dma_wait3A_229 = arith.constant 0 : i32
    %dma_wait3A_230 = arith.constant 0 : i32
    %dma_wait3A_231 = arith.constant 0 : i32
    %dma_wait3A_232 = tpu.memref_slice %arg6[%dma_wait3A_229, %dma_wait3A_230, %dma_wait3A_231] : memref<2x1600x32xf32, #tpu.memory_space<vmem>> -> memref<1x1600x32xf32, #tpu.memory_space<vmem>>
    %dma_wait3A_233 = tpu.memref_squeeze %dma_wait3A_232 : memref<1x1600x32xf32, #tpu.memory_space<vmem>> -> memref<1600x32xf32, #tpu.memory_space<vmem>>
    %dma_wait3A_234 = arith.constant 6400 : i32
    %dma_wait3A_235 = tpu.memref_slice %arg5[%dma_wait3A_234] : memref<25600xi32, #tpu.memory_space<vmem>> -> memref<1600xi32, #tpu.memory_space<vmem>>
    %dma_wait3A_236 = arith.constant 0 : i32
    %dma_wait3A_237 = arith.constant 0 : i32
    %dma_wait3A_238 = tpu.memref_slice %arg3[%dma_wait3A_236, %dma_wait3A_237] : memref<100000x32xf32, #tpu.memory_space<hbm>> -> memref<100000x32xf32, #tpu.memory_space<hbm>>
    tpu.wait_indirect_dma semaphore(%arg8 : memref<!tpu.dma_semaphore, #tpu.memory_space<semaphore_mem>>) src(%dma_wait3A_238 : memref<100000x32xf32, #tpu.memory_space<hbm>>) dst(%dma_wait3A_233 : memref<1600x32xf32, #tpu.memory_space<vmem>>)
    %add3A_239 = arith.constant 6400 : i32
    %add3A_240 = arith.addi %mul3A_2, %add3A_239 : i32
    %multiple_of3A_241 = tpu.assume_multiple %add3A_240, 1600 : i32
    %dma_start3A_242 = arith.constant 0 : i32
    %dma_start3A_243 = arith.constant 0 : i32
    %dma_start3A_244 = arith.constant 0 : i32
    %dma_start3A_245 = tpu.memref_slice %arg6[%dma_start3A_242, %dma_start3A_243, %dma_start3A_244] : memref<2x1600x32xf32, #tpu.memory_space<vmem>> -> memref<1x1600x32xf32, #tpu.memory_space<vmem>>
    %dma_start3A_246 = tpu.memref_squeeze %dma_start3A_245 : memref<1x1600x32xf32, #tpu.memory_space<vmem>> -> memref<1600x32xf32, #tpu.memory_space<vmem>>
    %dma_start3A_247 = arith.constant 0 : i32
    %dma_start3A_248 = tpu.memref_slice %arg4[%multiple_of3A_241, %dma_start3A_247] : memref<819200x32xf32, #tpu.memory_space<hbm>> -> memref<1600x32xf32, #tpu.memory_space<hbm>>
    %dma_start3A_249 = arith.constant 0 : i32
    %dma_start3A_250 = tpu.memref_slice %arg4[%multiple_of3A_241, %dma_start3A_249] : memref<819200x32xf32, #tpu.memory_space<hbm>> -> memref<1600x32xf32, #tpu.memory_space<hbm>>
    %dma_start3A_251 = arith.constant 0 : i32
    %dma_start3A_252 = arith.constant 0 : i32
    %dma_start3A_253 = tpu.memref_slice %arg6[%dma_start3A_242, %dma_start3A_251, %dma_start3A_252] : memref<2x1600x32xf32, #tpu.memory_space<vmem>> -> memref<1x1600x32xf32, #tpu.memory_space<vmem>>
    %dma_start3A_254 = tpu.memref_squeeze %dma_start3A_253 : memref<1x1600x32xf32, #tpu.memory_space<vmem>> -> memref<1600x32xf32, #tpu.memory_space<vmem>>
    tpu.enqueue_dma source(%dma_start3A_254 : memref<1600x32xf32, #tpu.memory_space<vmem>>) target(%dma_start3A_250 : memref<1600x32xf32, #tpu.memory_space<hbm>>) target_semaphore(%arg10 : memref<!tpu.dma_semaphore, #tpu.memory_space<semaphore_mem>>)
    %add3A_255 = arith.constant 6400 : i32
    %add3A_256 = arith.addi %mul3A_2, %add3A_255 : i32
    %multiple_of3A_257 = tpu.assume_multiple %add3A_256, 1600 : i32
    %dma_wait3A_258 = arith.constant 0 : i32
    %dma_wait3A_259 = arith.constant 0 : i32
    %dma_wait3A_260 = arith.constant 0 : i32
    %dma_wait3A_261 = tpu.memref_slice %arg6[%dma_wait3A_258, %dma_wait3A_259, %dma_wait3A_260] : memref<2x1600x32xf32, #tpu.memory_space<vmem>> -> memref<1x1600x32xf32, #tpu.memory_space<vmem>>
    %dma_wait3A_262 = tpu.memref_squeeze %dma_wait3A_261 : memref<1x1600x32xf32, #tpu.memory_space<vmem>> -> memref<1600x32xf32, #tpu.memory_space<vmem>>
    %dma_wait3A_263 = arith.constant 0 : i32
    %dma_wait3A_264 = tpu.memref_slice %arg4[%multiple_of3A_257, %dma_wait3A_263] : memref<819200x32xf32, #tpu.memory_space<hbm>> -> memref<1600x32xf32, #tpu.memory_space<hbm>>
    %dma_wait3A_265 = arith.constant 0 : i32
    %dma_wait3A_266 = tpu.memref_slice %arg4[%multiple_of3A_257, %dma_wait3A_265] : memref<819200x32xf32, #tpu.memory_space<hbm>> -> memref<1600x32xf32, #tpu.memory_space<hbm>>
    %dma_wait3A_267 = arith.constant 0 : i32
    %dma_wait3A_268 = arith.constant 0 : i32
    %dma_wait3A_269 = tpu.memref_slice %arg6[%dma_wait3A_258, %dma_wait3A_267, %dma_wait3A_268] : memref<2x1600x32xf32, #tpu.memory_space<vmem>> -> memref<1x1600x32xf32, #tpu.memory_space<vmem>>
    %dma_wait3A_270 = tpu.memref_squeeze %dma_wait3A_269 : memref<1x1600x32xf32, #tpu.memory_space<vmem>> -> memref<1600x32xf32, #tpu.memory_space<vmem>>
    tpu.wait_dma2 semaphore(%arg10 : memref<!tpu.dma_semaphore, #tpu.memory_space<semaphore_mem>>) src(%dma_wait3A_270 : memref<1600x32xf32, #tpu.memory_space<vmem>>) dst(%dma_wait3A_266 : memref<1600x32xf32, #tpu.memory_space<hbm>>)
    %dma_start3A_271 = arith.constant 0 : i32
    %dma_start3A_272 = arith.constant 0 : i32
    %dma_start3A_273 = arith.constant 0 : i32
    %dma_start3A_274 = tpu.memref_slice %arg6[%dma_start3A_271, %dma_start3A_272, %dma_start3A_273] : memref<2x1600x32xf32, #tpu.memory_space<vmem>> -> memref<1x1600x32xf32, #tpu.memory_space<vmem>>
    %dma_start3A_275 = tpu.memref_squeeze %dma_start3A_274 : memref<1x1600x32xf32, #tpu.memory_space<vmem>> -> memref<1600x32xf32, #tpu.memory_space<vmem>>
    %dma_start3A_276 = arith.constant 9600 : i32
    %dma_start3A_277 = tpu.memref_slice %arg5[%dma_start3A_276] : memref<25600xi32, #tpu.memory_space<vmem>> -> memref<1600xi32, #tpu.memory_space<vmem>>
    %dma_start3A_278 = arith.constant 0 : i32
    %dma_start3A_279 = arith.constant 0 : i32
    %dma_start3A_280 = tpu.memref_slice %arg3[%dma_start3A_278, %dma_start3A_279] : memref<100000x32xf32, #tpu.memory_space<hbm>> -> memref<100000x32xf32, #tpu.memory_space<hbm>>
    tpu.enqueue_indirect_dma source(%dma_start3A_280 : memref<100000x32xf32, #tpu.memory_space<hbm>>) target(%dma_start3A_275 : memref<1600x32xf32, #tpu.memory_space<vmem>>) offsets(%dma_start3A_277 : memref<1600xi32, #tpu.memory_space<vmem>>) semaphore(%arg8 : memref<!tpu.dma_semaphore, #tpu.memory_space<semaphore_mem>>)
    %dma_wait3A_281 = arith.constant 1 : i32
    %dma_wait3A_282 = arith.constant 0 : i32
    %dma_wait3A_283 = arith.constant 0 : i32
    %dma_wait3A_284 = tpu.memref_slice %arg6[%dma_wait3A_281, %dma_wait3A_282, %dma_wait3A_283] : memref<2x1600x32xf32, #tpu.memory_space<vmem>> -> memref<1x1600x32xf32, #tpu.memory_space<vmem>>
    %dma_wait3A_285 = tpu.memref_squeeze %dma_wait3A_284 : memref<1x1600x32xf32, #tpu.memory_space<vmem>> -> memref<1600x32xf32, #tpu.memory_space<vmem>>
    %dma_wait3A_286 = arith.constant 8000 : i32
    %dma_wait3A_287 = tpu.memref_slice %arg5[%dma_wait3A_286] : memref<25600xi32, #tpu.memory_space<vmem>> -> memref<1600xi32, #tpu.memory_space<vmem>>
    %dma_wait3A_288 = arith.constant 0 : i32
    %dma_wait3A_289 = arith.constant 0 : i32
    %dma_wait3A_290 = tpu.memref_slice %arg3[%dma_wait3A_288, %dma_wait3A_289] : memref<100000x32xf32, #tpu.memory_space<hbm>> -> memref<100000x32xf32, #tpu.memory_space<hbm>>
    tpu.wait_indirect_dma semaphore(%arg9 : memref<!tpu.dma_semaphore, #tpu.memory_space<semaphore_mem>>) src(%dma_wait3A_290 : memref<100000x32xf32, #tpu.memory_space<hbm>>) dst(%dma_wait3A_285 : memref<1600x32xf32, #tpu.memory_space<vmem>>)
    %add3A_291 = arith.constant 8000 : i32
    %add3A_292 = arith.addi %mul3A_2, %add3A_291 : i32
    %multiple_of3A_293 = tpu.assume_multiple %add3A_292, 1600 : i32
    %dma_start3A_294 = arith.constant 1 : i32
    %dma_start3A_295 = arith.constant 0 : i32
    %dma_start3A_296 = arith.constant 0 : i32
    %dma_start3A_297 = tpu.memref_slice %arg6[%dma_start3A_294, %dma_start3A_295, %dma_start3A_296] : memref<2x1600x32xf32, #tpu.memory_space<vmem>> -> memref<1x1600x32xf32, #tpu.memory_space<vmem>>
    %dma_start3A_298 = tpu.memref_squeeze %dma_start3A_297 : memref<1x1600x32xf32, #tpu.memory_space<vmem>> -> memref<1600x32xf32, #tpu.memory_space<vmem>>
    %dma_start3A_299 = arith.constant 0 : i32
    %dma_start3A_300 = tpu.memref_slice %arg4[%multiple_of3A_293, %dma_start3A_299] : memref<819200x32xf32, #tpu.memory_space<hbm>> -> memref<1600x32xf32, #tpu.memory_space<hbm>>
    %dma_start3A_301 = arith.constant 0 : i32
    %dma_start3A_302 = tpu.memref_slice %arg4[%multiple_of3A_293, %dma_start3A_301] : memref<819200x32xf32, #tpu.memory_space<hbm>> -> memref<1600x32xf32, #tpu.memory_space<hbm>>
    %dma_start3A_303 = arith.constant 0 : i32
    %dma_start3A_304 = arith.constant 0 : i32
    %dma_start3A_305 = tpu.memref_slice %arg6[%dma_start3A_294, %dma_start3A_303, %dma_start3A_304] : memref<2x1600x32xf32, #tpu.memory_space<vmem>> -> memref<1x1600x32xf32, #tpu.memory_space<vmem>>
    %dma_start3A_306 = tpu.memref_squeeze %dma_start3A_305 : memref<1x1600x32xf32, #tpu.memory_space<vmem>> -> memref<1600x32xf32, #tpu.memory_space<vmem>>
    tpu.enqueue_dma source(%dma_start3A_306 : memref<1600x32xf32, #tpu.memory_space<vmem>>) target(%dma_start3A_302 : memref<1600x32xf32, #tpu.memory_space<hbm>>) target_semaphore(%arg11 : memref<!tpu.dma_semaphore, #tpu.memory_space<semaphore_mem>>)
    %add3A_307 = arith.constant 8000 : i32
    %add3A_308 = arith.addi %mul3A_2, %add3A_307 : i32
    %multiple_of3A_309 = tpu.assume_multiple %add3A_308, 1600 : i32
    %dma_wait3A_310 = arith.constant 1 : i32
    %dma_wait3A_311 = arith.constant 0 : i32
    %dma_wait3A_312 = arith.constant 0 : i32
    %dma_wait3A_313 = tpu.memref_slice %arg6[%dma_wait3A_310, %dma_wait3A_311, %dma_wait3A_312] : memref<2x1600x32xf32, #tpu.memory_space<vmem>> -> memref<1x1600x32xf32, #tpu.memory_space<vmem>>
    %dma_wait3A_314 = tpu.memref_squeeze %dma_wait3A_313 : memref<1x1600x32xf32, #tpu.memory_space<vmem>> -> memref<1600x32xf32, #tpu.memory_space<vmem>>
    %dma_wait3A_315 = arith.constant 0 : i32
    %dma_wait3A_316 = tpu.memref_slice %arg4[%multiple_of3A_309, %dma_wait3A_315] : memref<819200x32xf32, #tpu.memory_space<hbm>> -> memref<1600x32xf32, #tpu.memory_space<hbm>>
    %dma_wait3A_317 = arith.constant 0 : i32
    %dma_wait3A_318 = tpu.memref_slice %arg4[%multiple_of3A_309, %dma_wait3A_317] : memref<819200x32xf32, #tpu.memory_space<hbm>> -> memref<1600x32xf32, #tpu.memory_space<hbm>>
    %dma_wait3A_319 = arith.constant 0 : i32
    %dma_wait3A_320 = arith.constant 0 : i32
    %dma_wait3A_321 = tpu.memref_slice %arg6[%dma_wait3A_310, %dma_wait3A_319, %dma_wait3A_320] : memref<2x1600x32xf32, #tpu.memory_space<vmem>> -> memref<1x1600x32xf32, #tpu.memory_space<vmem>>
    %dma_wait3A_322 = tpu.memref_squeeze %dma_wait3A_321 : memref<1x1600x32xf32, #tpu.memory_space<vmem>> -> memref<1600x32xf32, #tpu.memory_space<vmem>>
    tpu.wait_dma2 semaphore(%arg11 : memref<!tpu.dma_semaphore, #tpu.memory_space<semaphore_mem>>) src(%dma_wait3A_322 : memref<1600x32xf32, #tpu.memory_space<vmem>>) dst(%dma_wait3A_318 : memref<1600x32xf32, #tpu.memory_space<hbm>>)
    %dma_start3A_323 = arith.constant 1 : i32
    %dma_start3A_324 = arith.constant 0 : i32
    %dma_start3A_325 = arith.constant 0 : i32
    %dma_start3A_326 = tpu.memref_slice %arg6[%dma_start3A_323, %dma_start3A_324, %dma_start3A_325] : memref<2x1600x32xf32, #tpu.memory_space<vmem>> -> memref<1x1600x32xf32, #tpu.memory_space<vmem>>
    %dma_start3A_327 = tpu.memref_squeeze %dma_start3A_326 : memref<1x1600x32xf32, #tpu.memory_space<vmem>> -> memref<1600x32xf32, #tpu.memory_space<vmem>>
    %dma_start3A_328 = arith.constant 11200 : i32
    %dma_start3A_329 = tpu.memref_slice %arg5[%dma_start3A_328] : memref<25600xi32, #tpu.memory_space<vmem>> -> memref<1600xi32, #tpu.memory_space<vmem>>
    %dma_start3A_330 = arith.constant 0 : i32
    %dma_start3A_331 = arith.constant 0 : i32
    %dma_start3A_332 = tpu.memref_slice %arg3[%dma_start3A_330, %dma_start3A_331] : memref<100000x32xf32, #tpu.memory_space<hbm>> -> memref<100000x32xf32, #tpu.memory_space<hbm>>
    tpu.enqueue_indirect_dma source(%dma_start3A_332 : memref<100000x32xf32, #tpu.memory_space<hbm>>) target(%dma_start3A_327 : memref<1600x32xf32, #tpu.memory_space<vmem>>) offsets(%dma_start3A_329 : memref<1600xi32, #tpu.memory_space<vmem>>) semaphore(%arg9 : memref<!tpu.dma_semaphore, #tpu.memory_space<semaphore_mem>>)
    %dma_wait3A_333 = arith.constant 0 : i32
    %dma_wait3A_334 = arith.constant 0 : i32
    %dma_wait3A_335 = arith.constant 0 : i32
    %dma_wait3A_336 = tpu.memref_slice %arg6[%dma_wait3A_333, %dma_wait3A_334, %dma_wait3A_335] : memref<2x1600x32xf32, #tpu.memory_space<vmem>> -> memref<1x1600x32xf32, #tpu.memory_space<vmem>>
    %dma_wait3A_337 = tpu.memref_squeeze %dma_wait3A_336 : memref<1x1600x32xf32, #tpu.memory_space<vmem>> -> memref<1600x32xf32, #tpu.memory_space<vmem>>
    %dma_wait3A_338 = arith.constant 9600 : i32
    %dma_wait3A_339 = tpu.memref_slice %arg5[%dma_wait3A_338] : memref<25600xi32, #tpu.memory_space<vmem>> -> memref<1600xi32, #tpu.memory_space<vmem>>
    %dma_wait3A_340 = arith.constant 0 : i32
    %dma_wait3A_341 = arith.constant 0 : i32
    %dma_wait3A_342 = tpu.memref_slice %arg3[%dma_wait3A_340, %dma_wait3A_341] : memref<100000x32xf32, #tpu.memory_space<hbm>> -> memref<100000x32xf32, #tpu.memory_space<hbm>>
    tpu.wait_indirect_dma semaphore(%arg8 : memref<!tpu.dma_semaphore, #tpu.memory_space<semaphore_mem>>) src(%dma_wait3A_342 : memref<100000x32xf32, #tpu.memory_space<hbm>>) dst(%dma_wait3A_337 : memref<1600x32xf32, #tpu.memory_space<vmem>>)
    %add3A_343 = arith.constant 9600 : i32
    %add3A_344 = arith.addi %mul3A_2, %add3A_343 : i32
    %multiple_of3A_345 = tpu.assume_multiple %add3A_344, 1600 : i32
    %dma_start3A_346 = arith.constant 0 : i32
    %dma_start3A_347 = arith.constant 0 : i32
    %dma_start3A_348 = arith.constant 0 : i32
    %dma_start3A_349 = tpu.memref_slice %arg6[%dma_start3A_346, %dma_start3A_347, %dma_start3A_348] : memref<2x1600x32xf32, #tpu.memory_space<vmem>> -> memref<1x1600x32xf32, #tpu.memory_space<vmem>>
    %dma_start3A_350 = tpu.memref_squeeze %dma_start3A_349 : memref<1x1600x32xf32, #tpu.memory_space<vmem>> -> memref<1600x32xf32, #tpu.memory_space<vmem>>
    %dma_start3A_351 = arith.constant 0 : i32
    %dma_start3A_352 = tpu.memref_slice %arg4[%multiple_of3A_345, %dma_start3A_351] : memref<819200x32xf32, #tpu.memory_space<hbm>> -> memref<1600x32xf32, #tpu.memory_space<hbm>>
    %dma_start3A_353 = arith.constant 0 : i32
    %dma_start3A_354 = tpu.memref_slice %arg4[%multiple_of3A_345, %dma_start3A_353] : memref<819200x32xf32, #tpu.memory_space<hbm>> -> memref<1600x32xf32, #tpu.memory_space<hbm>>
    %dma_start3A_355 = arith.constant 0 : i32
    %dma_start3A_356 = arith.constant 0 : i32
    %dma_start3A_357 = tpu.memref_slice %arg6[%dma_start3A_346, %dma_start3A_355, %dma_start3A_356] : memref<2x1600x32xf32, #tpu.memory_space<vmem>> -> memref<1x1600x32xf32, #tpu.memory_space<vmem>>
    %dma_start3A_358 = tpu.memref_squeeze %dma_start3A_357 : memref<1x1600x32xf32, #tpu.memory_space<vmem>> -> memref<1600x32xf32, #tpu.memory_space<vmem>>
    tpu.enqueue_dma source(%dma_start3A_358 : memref<1600x32xf32, #tpu.memory_space<vmem>>) target(%dma_start3A_354 : memref<1600x32xf32, #tpu.memory_space<hbm>>) target_semaphore(%arg10 : memref<!tpu.dma_semaphore, #tpu.memory_space<semaphore_mem>>)
    %add3A_359 = arith.constant 9600 : i32
    %add3A_360 = arith.addi %mul3A_2, %add3A_359 : i32
    %multiple_of3A_361 = tpu.assume_multiple %add3A_360, 1600 : i32
    %dma_wait3A_362 = arith.constant 0 : i32
    %dma_wait3A_363 = arith.constant 0 : i32
    %dma_wait3A_364 = arith.constant 0 : i32
    %dma_wait3A_365 = tpu.memref_slice %arg6[%dma_wait3A_362, %dma_wait3A_363, %dma_wait3A_364] : memref<2x1600x32xf32, #tpu.memory_space<vmem>> -> memref<1x1600x32xf32, #tpu.memory_space<vmem>>
    %dma_wait3A_366 = tpu.memref_squeeze %dma_wait3A_365 : memref<1x1600x32xf32, #tpu.memory_space<vmem>> -> memref<1600x32xf32, #tpu.memory_space<vmem>>
    %dma_wait3A_367 = arith.constant 0 : i32
    %dma_wait3A_368 = tpu.memref_slice %arg4[%multiple_of3A_361, %dma_wait3A_367] : memref<819200x32xf32, #tpu.memory_space<hbm>> -> memref<1600x32xf32, #tpu.memory_space<hbm>>
    %dma_wait3A_369 = arith.constant 0 : i32
    %dma_wait3A_370 = tpu.memref_slice %arg4[%multiple_of3A_361, %dma_wait3A_369] : memref<819200x32xf32, #tpu.memory_space<hbm>> -> memref<1600x32xf32, #tpu.memory_space<hbm>>
    %dma_wait3A_371 = arith.constant 0 : i32
    %dma_wait3A_372 = arith.constant 0 : i32
    %dma_wait3A_373 = tpu.memref_slice %arg6[%dma_wait3A_362, %dma_wait3A_371, %dma_wait3A_372] : memref<2x1600x32xf32, #tpu.memory_space<vmem>> -> memref<1x1600x32xf32, #tpu.memory_space<vmem>>
    %dma_wait3A_374 = tpu.memref_squeeze %dma_wait3A_373 : memref<1x1600x32xf32, #tpu.memory_space<vmem>> -> memref<1600x32xf32, #tpu.memory_space<vmem>>
    tpu.wait_dma2 semaphore(%arg10 : memref<!tpu.dma_semaphore, #tpu.memory_space<semaphore_mem>>) src(%dma_wait3A_374 : memref<1600x32xf32, #tpu.memory_space<vmem>>) dst(%dma_wait3A_370 : memref<1600x32xf32, #tpu.memory_space<hbm>>)
    %dma_start3A_375 = arith.constant 0 : i32
    %dma_start3A_376 = arith.constant 0 : i32
    %dma_start3A_377 = arith.constant 0 : i32
    %dma_start3A_378 = tpu.memref_slice %arg6[%dma_start3A_375, %dma_start3A_376, %dma_start3A_377] : memref<2x1600x32xf32, #tpu.memory_space<vmem>> -> memref<1x1600x32xf32, #tpu.memory_space<vmem>>
    %dma_start3A_379 = tpu.memref_squeeze %dma_start3A_378 : memref<1x1600x32xf32, #tpu.memory_space<vmem>> -> memref<1600x32xf32, #tpu.memory_space<vmem>>
    %dma_start3A_380 = arith.constant 12800 : i32
    %dma_start3A_381 = tpu.memref_slice %arg5[%dma_start3A_380] : memref<25600xi32, #tpu.memory_space<vmem>> -> memref<1600xi32, #tpu.memory_space<vmem>>
    %dma_start3A_382 = arith.constant 0 : i32
    %dma_start3A_383 = arith.constant 0 : i32
    %dma_start3A_384 = tpu.memref_slice %arg3[%dma_start3A_382, %dma_start3A_383] : memref<100000x32xf32, #tpu.memory_space<hbm>> -> memref<100000x32xf32, #tpu.memory_space<hbm>>
    tpu.enqueue_indirect_dma source(%dma_start3A_384 : memref<100000x32xf32, #tpu.memory_space<hbm>>) target(%dma_start3A_379 : memref<1600x32xf32, #tpu.memory_space<vmem>>) offsets(%dma_start3A_381 : memref<1600xi32, #tpu.memory_space<vmem>>) semaphore(%arg8 : memref<!tpu.dma_semaphore, #tpu.memory_space<semaphore_mem>>)
    %dma_wait3A_385 = arith.constant 1 : i32
    %dma_wait3A_386 = arith.constant 0 : i32
    %dma_wait3A_387 = arith.constant 0 : i32
    %dma_wait3A_388 = tpu.memref_slice %arg6[%dma_wait3A_385, %dma_wait3A_386, %dma_wait3A_387] : memref<2x1600x32xf32, #tpu.memory_space<vmem>> -> memref<1x1600x32xf32, #tpu.memory_space<vmem>>
    %dma_wait3A_389 = tpu.memref_squeeze %dma_wait3A_388 : memref<1x1600x32xf32, #tpu.memory_space<vmem>> -> memref<1600x32xf32, #tpu.memory_space<vmem>>
    %dma_wait3A_390 = arith.constant 11200 : i32
    %dma_wait3A_391 = tpu.memref_slice %arg5[%dma_wait3A_390] : memref<25600xi32, #tpu.memory_space<vmem>> -> memref<1600xi32, #tpu.memory_space<vmem>>
    %dma_wait3A_392 = arith.constant 0 : i32
    %dma_wait3A_393 = arith.constant 0 : i32
    %dma_wait3A_394 = tpu.memref_slice %arg3[%dma_wait3A_392, %dma_wait3A_393] : memref<100000x32xf32, #tpu.memory_space<hbm>> -> memref<100000x32xf32, #tpu.memory_space<hbm>>
    tpu.wait_indirect_dma semaphore(%arg9 : memref<!tpu.dma_semaphore, #tpu.memory_space<semaphore_mem>>) src(%dma_wait3A_394 : memref<100000x32xf32, #tpu.memory_space<hbm>>) dst(%dma_wait3A_389 : memref<1600x32xf32, #tpu.memory_space<vmem>>)
    %add3A_395 = arith.constant 11200 : i32
    %add3A_396 = arith.addi %mul3A_2, %add3A_395 : i32
    %multiple_of3A_397 = tpu.assume_multiple %add3A_396, 1600 : i32
    %dma_start3A_398 = arith.constant 1 : i32
    %dma_start3A_399 = arith.constant 0 : i32
    %dma_start3A_400 = arith.constant 0 : i32
    %dma_start3A_401 = tpu.memref_slice %arg6[%dma_start3A_398, %dma_start3A_399, %dma_start3A_400] : memref<2x1600x32xf32, #tpu.memory_space<vmem>> -> memref<1x1600x32xf32, #tpu.memory_space<vmem>>
    %dma_start3A_402 = tpu.memref_squeeze %dma_start3A_401 : memref<1x1600x32xf32, #tpu.memory_space<vmem>> -> memref<1600x32xf32, #tpu.memory_space<vmem>>
    %dma_start3A_403 = arith.constant 0 : i32
    %dma_start3A_404 = tpu.memref_slice %arg4[%multiple_of3A_397, %dma_start3A_403] : memref<819200x32xf32, #tpu.memory_space<hbm>> -> memref<1600x32xf32, #tpu.memory_space<hbm>>
    %dma_start3A_405 = arith.constant 0 : i32
    %dma_start3A_406 = tpu.memref_slice %arg4[%multiple_of3A_397, %dma_start3A_405] : memref<819200x32xf32, #tpu.memory_space<hbm>> -> memref<1600x32xf32, #tpu.memory_space<hbm>>
    %dma_start3A_407 = arith.constant 0 : i32
    %dma_start3A_408 = arith.constant 0 : i32
    %dma_start3A_409 = tpu.memref_slice %arg6[%dma_start3A_398, %dma_start3A_407, %dma_start3A_408] : memref<2x1600x32xf32, #tpu.memory_space<vmem>> -> memref<1x1600x32xf32, #tpu.memory_space<vmem>>
    %dma_start3A_410 = tpu.memref_squeeze %dma_start3A_409 : memref<1x1600x32xf32, #tpu.memory_space<vmem>> -> memref<1600x32xf32, #tpu.memory_space<vmem>>
    tpu.enqueue_dma source(%dma_start3A_410 : memref<1600x32xf32, #tpu.memory_space<vmem>>) target(%dma_start3A_406 : memref<1600x32xf32, #tpu.memory_space<hbm>>) target_semaphore(%arg11 : memref<!tpu.dma_semaphore, #tpu.memory_space<semaphore_mem>>)
    %add3A_411 = arith.constant 11200 : i32
    %add3A_412 = arith.addi %mul3A_2, %add3A_411 : i32
    %multiple_of3A_413 = tpu.assume_multiple %add3A_412, 1600 : i32
    %dma_wait3A_414 = arith.constant 1 : i32
    %dma_wait3A_415 = arith.constant 0 : i32
    %dma_wait3A_416 = arith.constant 0 : i32
    %dma_wait3A_417 = tpu.memref_slice %arg6[%dma_wait3A_414, %dma_wait3A_415, %dma_wait3A_416] : memref<2x1600x32xf32, #tpu.memory_space<vmem>> -> memref<1x1600x32xf32, #tpu.memory_space<vmem>>
    %dma_wait3A_418 = tpu.memref_squeeze %dma_wait3A_417 : memref<1x1600x32xf32, #tpu.memory_space<vmem>> -> memref<1600x32xf32, #tpu.memory_space<vmem>>
    %dma_wait3A_419 = arith.constant 0 : i32
    %dma_wait3A_420 = tpu.memref_slice %arg4[%multiple_of3A_413, %dma_wait3A_419] : memref<819200x32xf32, #tpu.memory_space<hbm>> -> memref<1600x32xf32, #tpu.memory_space<hbm>>
    %dma_wait3A_421 = arith.constant 0 : i32
    %dma_wait3A_422 = tpu.memref_slice %arg4[%multiple_of3A_413, %dma_wait3A_421] : memref<819200x32xf32, #tpu.memory_space<hbm>> -> memref<1600x32xf32, #tpu.memory_space<hbm>>
    %dma_wait3A_423 = arith.constant 0 : i32
    %dma_wait3A_424 = arith.constant 0 : i32
    %dma_wait3A_425 = tpu.memref_slice %arg6[%dma_wait3A_414, %dma_wait3A_423, %dma_wait3A_424] : memref<2x1600x32xf32, #tpu.memory_space<vmem>> -> memref<1x1600x32xf32, #tpu.memory_space<vmem>>
    %dma_wait3A_426 = tpu.memref_squeeze %dma_wait3A_425 : memref<1x1600x32xf32, #tpu.memory_space<vmem>> -> memref<1600x32xf32, #tpu.memory_space<vmem>>
    tpu.wait_dma2 semaphore(%arg11 : memref<!tpu.dma_semaphore, #tpu.memory_space<semaphore_mem>>) src(%dma_wait3A_426 : memref<1600x32xf32, #tpu.memory_space<vmem>>) dst(%dma_wait3A_422 : memref<1600x32xf32, #tpu.memory_space<hbm>>)
    %dma_start3A_427 = arith.constant 1 : i32
    %dma_start3A_428 = arith.constant 0 : i32
    %dma_start3A_429 = arith.constant 0 : i32
    %dma_start3A_430 = tpu.memref_slice %arg6[%dma_start3A_427, %dma_start3A_428, %dma_start3A_429] : memref<2x1600x32xf32, #tpu.memory_space<vmem>> -> memref<1x1600x32xf32, #tpu.memory_space<vmem>>
    %dma_start3A_431 = tpu.memref_squeeze %dma_start3A_430 : memref<1x1600x32xf32, #tpu.memory_space<vmem>> -> memref<1600x32xf32, #tpu.memory_space<vmem>>
    %dma_start3A_432 = arith.constant 14400 : i32
    %dma_start3A_433 = tpu.memref_slice %arg5[%dma_start3A_432] : memref<25600xi32, #tpu.memory_space<vmem>> -> memref<1600xi32, #tpu.memory_space<vmem>>
    %dma_start3A_434 = arith.constant 0 : i32
    %dma_start3A_435 = arith.constant 0 : i32
    %dma_start3A_436 = tpu.memref_slice %arg3[%dma_start3A_434, %dma_start3A_435] : memref<100000x32xf32, #tpu.memory_space<hbm>> -> memref<100000x32xf32, #tpu.memory_space<hbm>>
    tpu.enqueue_indirect_dma source(%dma_start3A_436 : memref<100000x32xf32, #tpu.memory_space<hbm>>) target(%dma_start3A_431 : memref<1600x32xf32, #tpu.memory_space<vmem>>) offsets(%dma_start3A_433 : memref<1600xi32, #tpu.memory_space<vmem>>) semaphore(%arg9 : memref<!tpu.dma_semaphore, #tpu.memory_space<semaphore_mem>>)
    %dma_wait3A_437 = arith.constant 0 : i32
    %dma_wait3A_438 = arith.constant 0 : i32
    %dma_wait3A_439 = arith.constant 0 : i32
    %dma_wait3A_440 = tpu.memref_slice %arg6[%dma_wait3A_437, %dma_wait3A_438, %dma_wait3A_439] : memref<2x1600x32xf32, #tpu.memory_space<vmem>> -> memref<1x1600x32xf32, #tpu.memory_space<vmem>>
    %dma_wait3A_441 = tpu.memref_squeeze %dma_wait3A_440 : memref<1x1600x32xf32, #tpu.memory_space<vmem>> -> memref<1600x32xf32, #tpu.memory_space<vmem>>
    %dma_wait3A_442 = arith.constant 12800 : i32
    %dma_wait3A_443 = tpu.memref_slice %arg5[%dma_wait3A_442] : memref<25600xi32, #tpu.memory_space<vmem>> -> memref<1600xi32, #tpu.memory_space<vmem>>
    %dma_wait3A_444 = arith.constant 0 : i32
    %dma_wait3A_445 = arith.constant 0 : i32
    %dma_wait3A_446 = tpu.memref_slice %arg3[%dma_wait3A_444, %dma_wait3A_445] : memref<100000x32xf32, #tpu.memory_space<hbm>> -> memref<100000x32xf32, #tpu.memory_space<hbm>>
    tpu.wait_indirect_dma semaphore(%arg8 : memref<!tpu.dma_semaphore, #tpu.memory_space<semaphore_mem>>) src(%dma_wait3A_446 : memref<100000x32xf32, #tpu.memory_space<hbm>>) dst(%dma_wait3A_441 : memref<1600x32xf32, #tpu.memory_space<vmem>>)
    %add3A_447 = arith.constant 12800 : i32
    %add3A_448 = arith.addi %mul3A_2, %add3A_447 : i32
    %multiple_of3A_449 = tpu.assume_multiple %add3A_448, 1600 : i32
    %dma_start3A_450 = arith.constant 0 : i32
    %dma_start3A_451 = arith.constant 0 : i32
    %dma_start3A_452 = arith.constant 0 : i32
    %dma_start3A_453 = tpu.memref_slice %arg6[%dma_start3A_450, %dma_start3A_451, %dma_start3A_452] : memref<2x1600x32xf32, #tpu.memory_space<vmem>> -> memref<1x1600x32xf32, #tpu.memory_space<vmem>>
    %dma_start3A_454 = tpu.memref_squeeze %dma_start3A_453 : memref<1x1600x32xf32, #tpu.memory_space<vmem>> -> memref<1600x32xf32, #tpu.memory_space<vmem>>
    %dma_start3A_455 = arith.constant 0 : i32
    %dma_start3A_456 = tpu.memref_slice %arg4[%multiple_of3A_449, %dma_start3A_455] : memref<819200x32xf32, #tpu.memory_space<hbm>> -> memref<1600x32xf32, #tpu.memory_space<hbm>>
    %dma_start3A_457 = arith.constant 0 : i32
    %dma_start3A_458 = tpu.memref_slice %arg4[%multiple_of3A_449, %dma_start3A_457] : memref<819200x32xf32, #tpu.memory_space<hbm>> -> memref<1600x32xf32, #tpu.memory_space<hbm>>
    %dma_start3A_459 = arith.constant 0 : i32
    %dma_start3A_460 = arith.constant 0 : i32
    %dma_start3A_461 = tpu.memref_slice %arg6[%dma_start3A_450, %dma_start3A_459, %dma_start3A_460] : memref<2x1600x32xf32, #tpu.memory_space<vmem>> -> memref<1x1600x32xf32, #tpu.memory_space<vmem>>
    %dma_start3A_462 = tpu.memref_squeeze %dma_start3A_461 : memref<1x1600x32xf32, #tpu.memory_space<vmem>> -> memref<1600x32xf32, #tpu.memory_space<vmem>>
    tpu.enqueue_dma source(%dma_start3A_462 : memref<1600x32xf32, #tpu.memory_space<vmem>>) target(%dma_start3A_458 : memref<1600x32xf32, #tpu.memory_space<hbm>>) target_semaphore(%arg10 : memref<!tpu.dma_semaphore, #tpu.memory_space<semaphore_mem>>)
    %add3A_463 = arith.constant 12800 : i32
    %add3A_464 = arith.addi %mul3A_2, %add3A_463 : i32
    %multiple_of3A_465 = tpu.assume_multiple %add3A_464, 1600 : i32
    %dma_wait3A_466 = arith.constant 0 : i32
    %dma_wait3A_467 = arith.constant 0 : i32
    %dma_wait3A_468 = arith.constant 0 : i32
    %dma_wait3A_469 = tpu.memref_slice %arg6[%dma_wait3A_466, %dma_wait3A_467, %dma_wait3A_468] : memref<2x1600x32xf32, #tpu.memory_space<vmem>> -> memref<1x1600x32xf32, #tpu.memory_space<vmem>>
    %dma_wait3A_470 = tpu.memref_squeeze %dma_wait3A_469 : memref<1x1600x32xf32, #tpu.memory_space<vmem>> -> memref<1600x32xf32, #tpu.memory_space<vmem>>
    %dma_wait3A_471 = arith.constant 0 : i32
    %dma_wait3A_472 = tpu.memref_slice %arg4[%multiple_of3A_465, %dma_wait3A_471] : memref<819200x32xf32, #tpu.memory_space<hbm>> -> memref<1600x32xf32, #tpu.memory_space<hbm>>
    %dma_wait3A_473 = arith.constant 0 : i32
    %dma_wait3A_474 = tpu.memref_slice %arg4[%multiple_of3A_465, %dma_wait3A_473] : memref<819200x32xf32, #tpu.memory_space<hbm>> -> memref<1600x32xf32, #tpu.memory_space<hbm>>
    %dma_wait3A_475 = arith.constant 0 : i32
    %dma_wait3A_476 = arith.constant 0 : i32
    %dma_wait3A_477 = tpu.memref_slice %arg6[%dma_wait3A_466, %dma_wait3A_475, %dma_wait3A_476] : memref<2x1600x32xf32, #tpu.memory_space<vmem>> -> memref<1x1600x32xf32, #tpu.memory_space<vmem>>
    %dma_wait3A_478 = tpu.memref_squeeze %dma_wait3A_477 : memref<1x1600x32xf32, #tpu.memory_space<vmem>> -> memref<1600x32xf32, #tpu.memory_space<vmem>>
    tpu.wait_dma2 semaphore(%arg10 : memref<!tpu.dma_semaphore, #tpu.memory_space<semaphore_mem>>) src(%dma_wait3A_478 : memref<1600x32xf32, #tpu.memory_space<vmem>>) dst(%dma_wait3A_474 : memref<1600x32xf32, #tpu.memory_space<hbm>>)
    %dma_start3A_479 = arith.constant 0 : i32
    %dma_start3A_480 = arith.constant 0 : i32
    %dma_start3A_481 = arith.constant 0 : i32
    %dma_start3A_482 = tpu.memref_slice %arg6[%dma_start3A_479, %dma_start3A_480, %dma_start3A_481] : memref<2x1600x32xf32, #tpu.memory_space<vmem>> -> memref<1x1600x32xf32, #tpu.memory_space<vmem>>
    %dma_start3A_483 = tpu.memref_squeeze %dma_start3A_482 : memref<1x1600x32xf32, #tpu.memory_space<vmem>> -> memref<1600x32xf32, #tpu.memory_space<vmem>>
    %dma_start3A_484 = arith.constant 16000 : i32
    %dma_start3A_485 = tpu.memref_slice %arg5[%dma_start3A_484] : memref<25600xi32, #tpu.memory_space<vmem>> -> memref<1600xi32, #tpu.memory_space<vmem>>
    %dma_start3A_486 = arith.constant 0 : i32
    %dma_start3A_487 = arith.constant 0 : i32
    %dma_start3A_488 = tpu.memref_slice %arg3[%dma_start3A_486, %dma_start3A_487] : memref<100000x32xf32, #tpu.memory_space<hbm>> -> memref<100000x32xf32, #tpu.memory_space<hbm>>
    tpu.enqueue_indirect_dma source(%dma_start3A_488 : memref<100000x32xf32, #tpu.memory_space<hbm>>) target(%dma_start3A_483 : memref<1600x32xf32, #tpu.memory_space<vmem>>) offsets(%dma_start3A_485 : memref<1600xi32, #tpu.memory_space<vmem>>) semaphore(%arg8 : memref<!tpu.dma_semaphore, #tpu.memory_space<semaphore_mem>>)
    %dma_wait3A_489 = arith.constant 1 : i32
    %dma_wait3A_490 = arith.constant 0 : i32
    %dma_wait3A_491 = arith.constant 0 : i32
    %dma_wait3A_492 = tpu.memref_slice %arg6[%dma_wait3A_489, %dma_wait3A_490, %dma_wait3A_491] : memref<2x1600x32xf32, #tpu.memory_space<vmem>> -> memref<1x1600x32xf32, #tpu.memory_space<vmem>>
    %dma_wait3A_493 = tpu.memref_squeeze %dma_wait3A_492 : memref<1x1600x32xf32, #tpu.memory_space<vmem>> -> memref<1600x32xf32, #tpu.memory_space<vmem>>
    %dma_wait3A_494 = arith.constant 14400 : i32
    %dma_wait3A_495 = tpu.memref_slice %arg5[%dma_wait3A_494] : memref<25600xi32, #tpu.memory_space<vmem>> -> memref<1600xi32, #tpu.memory_space<vmem>>
    %dma_wait3A_496 = arith.constant 0 : i32
    %dma_wait3A_497 = arith.constant 0 : i32
    %dma_wait3A_498 = tpu.memref_slice %arg3[%dma_wait3A_496, %dma_wait3A_497] : memref<100000x32xf32, #tpu.memory_space<hbm>> -> memref<100000x32xf32, #tpu.memory_space<hbm>>
    tpu.wait_indirect_dma semaphore(%arg9 : memref<!tpu.dma_semaphore, #tpu.memory_space<semaphore_mem>>) src(%dma_wait3A_498 : memref<100000x32xf32, #tpu.memory_space<hbm>>) dst(%dma_wait3A_493 : memref<1600x32xf32, #tpu.memory_space<vmem>>)
    %add3A_499 = arith.constant 14400 : i32
    %add3A_500 = arith.addi %mul3A_2, %add3A_499 : i32
    %multiple_of3A_501 = tpu.assume_multiple %add3A_500, 1600 : i32
    %dma_start3A_502 = arith.constant 1 : i32
    %dma_start3A_503 = arith.constant 0 : i32
    %dma_start3A_504 = arith.constant 0 : i32
    %dma_start3A_505 = tpu.memref_slice %arg6[%dma_start3A_502, %dma_start3A_503, %dma_start3A_504] : memref<2x1600x32xf32, #tpu.memory_space<vmem>> -> memref<1x1600x32xf32, #tpu.memory_space<vmem>>
    %dma_start3A_506 = tpu.memref_squeeze %dma_start3A_505 : memref<1x1600x32xf32, #tpu.memory_space<vmem>> -> memref<1600x32xf32, #tpu.memory_space<vmem>>
    %dma_start3A_507 = arith.constant 0 : i32
    %dma_start3A_508 = tpu.memref_slice %arg4[%multiple_of3A_501, %dma_start3A_507] : memref<819200x32xf32, #tpu.memory_space<hbm>> -> memref<1600x32xf32, #tpu.memory_space<hbm>>
    %dma_start3A_509 = arith.constant 0 : i32
    %dma_start3A_510 = tpu.memref_slice %arg4[%multiple_of3A_501, %dma_start3A_509] : memref<819200x32xf32, #tpu.memory_space<hbm>> -> memref<1600x32xf32, #tpu.memory_space<hbm>>
    %dma_start3A_511 = arith.constant 0 : i32
    %dma_start3A_512 = arith.constant 0 : i32
    %dma_start3A_513 = tpu.memref_slice %arg6[%dma_start3A_502, %dma_start3A_511, %dma_start3A_512] : memref<2x1600x32xf32, #tpu.memory_space<vmem>> -> memref<1x1600x32xf32, #tpu.memory_space<vmem>>
    %dma_start3A_514 = tpu.memref_squeeze %dma_start3A_513 : memref<1x1600x32xf32, #tpu.memory_space<vmem>> -> memref<1600x32xf32, #tpu.memory_space<vmem>>
    tpu.enqueue_dma source(%dma_start3A_514 : memref<1600x32xf32, #tpu.memory_space<vmem>>) target(%dma_start3A_510 : memref<1600x32xf32, #tpu.memory_space<hbm>>) target_semaphore(%arg11 : memref<!tpu.dma_semaphore, #tpu.memory_space<semaphore_mem>>)
    %add3A_515 = arith.constant 14400 : i32
    %add3A_516 = arith.addi %mul3A_2, %add3A_515 : i32
    %multiple_of3A_517 = tpu.assume_multiple %add3A_516, 1600 : i32
    %dma_wait3A_518 = arith.constant 1 : i32
    %dma_wait3A_519 = arith.constant 0 : i32
    %dma_wait3A_520 = arith.constant 0 : i32
    %dma_wait3A_521 = tpu.memref_slice %arg6[%dma_wait3A_518, %dma_wait3A_519, %dma_wait3A_520] : memref<2x1600x32xf32, #tpu.memory_space<vmem>> -> memref<1x1600x32xf32, #tpu.memory_space<vmem>>
    %dma_wait3A_522 = tpu.memref_squeeze %dma_wait3A_521 : memref<1x1600x32xf32, #tpu.memory_space<vmem>> -> memref<1600x32xf32, #tpu.memory_space<vmem>>
    %dma_wait3A_523 = arith.constant 0 : i32
    %dma_wait3A_524 = tpu.memref_slice %arg4[%multiple_of3A_517, %dma_wait3A_523] : memref<819200x32xf32, #tpu.memory_space<hbm>> -> memref<1600x32xf32, #tpu.memory_space<hbm>>
    %dma_wait3A_525 = arith.constant 0 : i32
    %dma_wait3A_526 = tpu.memref_slice %arg4[%multiple_of3A_517, %dma_wait3A_525] : memref<819200x32xf32, #tpu.memory_space<hbm>> -> memref<1600x32xf32, #tpu.memory_space<hbm>>
    %dma_wait3A_527 = arith.constant 0 : i32
    %dma_wait3A_528 = arith.constant 0 : i32
    %dma_wait3A_529 = tpu.memref_slice %arg6[%dma_wait3A_518, %dma_wait3A_527, %dma_wait3A_528] : memref<2x1600x32xf32, #tpu.memory_space<vmem>> -> memref<1x1600x32xf32, #tpu.memory_space<vmem>>
    %dma_wait3A_530 = tpu.memref_squeeze %dma_wait3A_529 : memref<1x1600x32xf32, #tpu.memory_space<vmem>> -> memref<1600x32xf32, #tpu.memory_space<vmem>>
    tpu.wait_dma2 semaphore(%arg11 : memref<!tpu.dma_semaphore, #tpu.memory_space<semaphore_mem>>) src(%dma_wait3A_530 : memref<1600x32xf32, #tpu.memory_space<vmem>>) dst(%dma_wait3A_526 : memref<1600x32xf32, #tpu.memory_space<hbm>>)
    %dma_start3A_531 = arith.constant 1 : i32
    %dma_start3A_532 = arith.constant 0 : i32
    %dma_start3A_533 = arith.constant 0 : i32
    %dma_start3A_534 = tpu.memref_slice %arg6[%dma_start3A_531, %dma_start3A_532, %dma_start3A_533] : memref<2x1600x32xf32, #tpu.memory_space<vmem>> -> memref<1x1600x32xf32, #tpu.memory_space<vmem>>
    %dma_start3A_535 = tpu.memref_squeeze %dma_start3A_534 : memref<1x1600x32xf32, #tpu.memory_space<vmem>> -> memref<1600x32xf32, #tpu.memory_space<vmem>>
    %dma_start3A_536 = arith.constant 17600 : i32
    %dma_start3A_537 = tpu.memref_slice %arg5[%dma_start3A_536] : memref<25600xi32, #tpu.memory_space<vmem>> -> memref<1600xi32, #tpu.memory_space<vmem>>
    %dma_start3A_538 = arith.constant 0 : i32
    %dma_start3A_539 = arith.constant 0 : i32
    %dma_start3A_540 = tpu.memref_slice %arg3[%dma_start3A_538, %dma_start3A_539] : memref<100000x32xf32, #tpu.memory_space<hbm>> -> memref<100000x32xf32, #tpu.memory_space<hbm>>
    tpu.enqueue_indirect_dma source(%dma_start3A_540 : memref<100000x32xf32, #tpu.memory_space<hbm>>) target(%dma_start3A_535 : memref<1600x32xf32, #tpu.memory_space<vmem>>) offsets(%dma_start3A_537 : memref<1600xi32, #tpu.memory_space<vmem>>) semaphore(%arg9 : memref<!tpu.dma_semaphore, #tpu.memory_space<semaphore_mem>>)
    %dma_wait3A_541 = arith.constant 0 : i32
    %dma_wait3A_542 = arith.constant 0 : i32
    %dma_wait3A_543 = arith.constant 0 : i32
    %dma_wait3A_544 = tpu.memref_slice %arg6[%dma_wait3A_541, %dma_wait3A_542, %dma_wait3A_543] : memref<2x1600x32xf32, #tpu.memory_space<vmem>> -> memref<1x1600x32xf32, #tpu.memory_space<vmem>>
    %dma_wait3A_545 = tpu.memref_squeeze %dma_wait3A_544 : memref<1x1600x32xf32, #tpu.memory_space<vmem>> -> memref<1600x32xf32, #tpu.memory_space<vmem>>
    %dma_wait3A_546 = arith.constant 16000 : i32
    %dma_wait3A_547 = tpu.memref_slice %arg5[%dma_wait3A_546] : memref<25600xi32, #tpu.memory_space<vmem>> -> memref<1600xi32, #tpu.memory_space<vmem>>
    %dma_wait3A_548 = arith.constant 0 : i32
    %dma_wait3A_549 = arith.constant 0 : i32
    %dma_wait3A_550 = tpu.memref_slice %arg3[%dma_wait3A_548, %dma_wait3A_549] : memref<100000x32xf32, #tpu.memory_space<hbm>> -> memref<100000x32xf32, #tpu.memory_space<hbm>>
    tpu.wait_indirect_dma semaphore(%arg8 : memref<!tpu.dma_semaphore, #tpu.memory_space<semaphore_mem>>) src(%dma_wait3A_550 : memref<100000x32xf32, #tpu.memory_space<hbm>>) dst(%dma_wait3A_545 : memref<1600x32xf32, #tpu.memory_space<vmem>>)
    %add3A_551 = arith.constant 16000 : i32
    %add3A_552 = arith.addi %mul3A_2, %add3A_551 : i32
    %multiple_of3A_553 = tpu.assume_multiple %add3A_552, 1600 : i32
    %dma_start3A_554 = arith.constant 0 : i32
    %dma_start3A_555 = arith.constant 0 : i32
    %dma_start3A_556 = arith.constant 0 : i32
    %dma_start3A_557 = tpu.memref_slice %arg6[%dma_start3A_554, %dma_start3A_555, %dma_start3A_556] : memref<2x1600x32xf32, #tpu.memory_space<vmem>> -> memref<1x1600x32xf32, #tpu.memory_space<vmem>>
    %dma_start3A_558 = tpu.memref_squeeze %dma_start3A_557 : memref<1x1600x32xf32, #tpu.memory_space<vmem>> -> memref<1600x32xf32, #tpu.memory_space<vmem>>
    %dma_start3A_559 = arith.constant 0 : i32
    %dma_start3A_560 = tpu.memref_slice %arg4[%multiple_of3A_553, %dma_start3A_559] : memref<819200x32xf32, #tpu.memory_space<hbm>> -> memref<1600x32xf32, #tpu.memory_space<hbm>>
    %dma_start3A_561 = arith.constant 0 : i32
    %dma_start3A_562 = tpu.memref_slice %arg4[%multiple_of3A_553, %dma_start3A_561] : memref<819200x32xf32, #tpu.memory_space<hbm>> -> memref<1600x32xf32, #tpu.memory_space<hbm>>
    %dma_start3A_563 = arith.constant 0 : i32
    %dma_start3A_564 = arith.constant 0 : i32
    %dma_start3A_565 = tpu.memref_slice %arg6[%dma_start3A_554, %dma_start3A_563, %dma_start3A_564] : memref<2x1600x32xf32, #tpu.memory_space<vmem>> -> memref<1x1600x32xf32, #tpu.memory_space<vmem>>
    %dma_start3A_566 = tpu.memref_squeeze %dma_start3A_565 : memref<1x1600x32xf32, #tpu.memory_space<vmem>> -> memref<1600x32xf32, #tpu.memory_space<vmem>>
    tpu.enqueue_dma source(%dma_start3A_566 : memref<1600x32xf32, #tpu.memory_space<vmem>>) target(%dma_start3A_562 : memref<1600x32xf32, #tpu.memory_space<hbm>>) target_semaphore(%arg10 : memref<!tpu.dma_semaphore, #tpu.memory_space<semaphore_mem>>)
    %add3A_567 = arith.constant 16000 : i32
    %add3A_568 = arith.addi %mul3A_2, %add3A_567 : i32
    %multiple_of3A_569 = tpu.assume_multiple %add3A_568, 1600 : i32
    %dma_wait3A_570 = arith.constant 0 : i32
    %dma_wait3A_571 = arith.constant 0 : i32
    %dma_wait3A_572 = arith.constant 0 : i32
    %dma_wait3A_573 = tpu.memref_slice %arg6[%dma_wait3A_570, %dma_wait3A_571, %dma_wait3A_572] : memref<2x1600x32xf32, #tpu.memory_space<vmem>> -> memref<1x1600x32xf32, #tpu.memory_space<vmem>>
    %dma_wait3A_574 = tpu.memref_squeeze %dma_wait3A_573 : memref<1x1600x32xf32, #tpu.memory_space<vmem>> -> memref<1600x32xf32, #tpu.memory_space<vmem>>
    %dma_wait3A_575 = arith.constant 0 : i32
    %dma_wait3A_576 = tpu.memref_slice %arg4[%multiple_of3A_569, %dma_wait3A_575] : memref<819200x32xf32, #tpu.memory_space<hbm>> -> memref<1600x32xf32, #tpu.memory_space<hbm>>
    %dma_wait3A_577 = arith.constant 0 : i32
    %dma_wait3A_578 = tpu.memref_slice %arg4[%multiple_of3A_569, %dma_wait3A_577] : memref<819200x32xf32, #tpu.memory_space<hbm>> -> memref<1600x32xf32, #tpu.memory_space<hbm>>
    %dma_wait3A_579 = arith.constant 0 : i32
    %dma_wait3A_580 = arith.constant 0 : i32
    %dma_wait3A_581 = tpu.memref_slice %arg6[%dma_wait3A_570, %dma_wait3A_579, %dma_wait3A_580] : memref<2x1600x32xf32, #tpu.memory_space<vmem>> -> memref<1x1600x32xf32, #tpu.memory_space<vmem>>
    %dma_wait3A_582 = tpu.memref_squeeze %dma_wait3A_581 : memref<1x1600x32xf32, #tpu.memory_space<vmem>> -> memref<1600x32xf32, #tpu.memory_space<vmem>>
    tpu.wait_dma2 semaphore(%arg10 : memref<!tpu.dma_semaphore, #tpu.memory_space<semaphore_mem>>) src(%dma_wait3A_582 : memref<1600x32xf32, #tpu.memory_space<vmem>>) dst(%dma_wait3A_578 : memref<1600x32xf32, #tpu.memory_space<hbm>>)
    %dma_start3A_583 = arith.constant 0 : i32
    %dma_start3A_584 = arith.constant 0 : i32
    %dma_start3A_585 = arith.constant 0 : i32
    %dma_start3A_586 = tpu.memref_slice %arg6[%dma_start3A_583, %dma_start3A_584, %dma_start3A_585] : memref<2x1600x32xf32, #tpu.memory_space<vmem>> -> memref<1x1600x32xf32, #tpu.memory_space<vmem>>
    %dma_start3A_587 = tpu.memref_squeeze %dma_start3A_586 : memref<1x1600x32xf32, #tpu.memory_space<vmem>> -> memref<1600x32xf32, #tpu.memory_space<vmem>>
    %dma_start3A_588 = arith.constant 19200 : i32
    %dma_start3A_589 = tpu.memref_slice %arg5[%dma_start3A_588] : memref<25600xi32, #tpu.memory_space<vmem>> -> memref<1600xi32, #tpu.memory_space<vmem>>
    %dma_start3A_590 = arith.constant 0 : i32
    %dma_start3A_591 = arith.constant 0 : i32
    %dma_start3A_592 = tpu.memref_slice %arg3[%dma_start3A_590, %dma_start3A_591] : memref<100000x32xf32, #tpu.memory_space<hbm>> -> memref<100000x32xf32, #tpu.memory_space<hbm>>
    tpu.enqueue_indirect_dma source(%dma_start3A_592 : memref<100000x32xf32, #tpu.memory_space<hbm>>) target(%dma_start3A_587 : memref<1600x32xf32, #tpu.memory_space<vmem>>) offsets(%dma_start3A_589 : memref<1600xi32, #tpu.memory_space<vmem>>) semaphore(%arg8 : memref<!tpu.dma_semaphore, #tpu.memory_space<semaphore_mem>>)
    %dma_wait3A_593 = arith.constant 1 : i32
    %dma_wait3A_594 = arith.constant 0 : i32
    %dma_wait3A_595 = arith.constant 0 : i32
    %dma_wait3A_596 = tpu.memref_slice %arg6[%dma_wait3A_593, %dma_wait3A_594, %dma_wait3A_595] : memref<2x1600x32xf32, #tpu.memory_space<vmem>> -> memref<1x1600x32xf32, #tpu.memory_space<vmem>>
    %dma_wait3A_597 = tpu.memref_squeeze %dma_wait3A_596 : memref<1x1600x32xf32, #tpu.memory_space<vmem>> -> memref<1600x32xf32, #tpu.memory_space<vmem>>
    %dma_wait3A_598 = arith.constant 17600 : i32
    %dma_wait3A_599 = tpu.memref_slice %arg5[%dma_wait3A_598] : memref<25600xi32, #tpu.memory_space<vmem>> -> memref<1600xi32, #tpu.memory_space<vmem>>
    %dma_wait3A_600 = arith.constant 0 : i32
    %dma_wait3A_601 = arith.constant 0 : i32
    %dma_wait3A_602 = tpu.memref_slice %arg3[%dma_wait3A_600, %dma_wait3A_601] : memref<100000x32xf32, #tpu.memory_space<hbm>> -> memref<100000x32xf32, #tpu.memory_space<hbm>>
    tpu.wait_indirect_dma semaphore(%arg9 : memref<!tpu.dma_semaphore, #tpu.memory_space<semaphore_mem>>) src(%dma_wait3A_602 : memref<100000x32xf32, #tpu.memory_space<hbm>>) dst(%dma_wait3A_597 : memref<1600x32xf32, #tpu.memory_space<vmem>>)
    %add3A_603 = arith.constant 17600 : i32
    %add3A_604 = arith.addi %mul3A_2, %add3A_603 : i32
    %multiple_of3A_605 = tpu.assume_multiple %add3A_604, 1600 : i32
    %dma_start3A_606 = arith.constant 1 : i32
    %dma_start3A_607 = arith.constant 0 : i32
    %dma_start3A_608 = arith.constant 0 : i32
    %dma_start3A_609 = tpu.memref_slice %arg6[%dma_start3A_606, %dma_start3A_607, %dma_start3A_608] : memref<2x1600x32xf32, #tpu.memory_space<vmem>> -> memref<1x1600x32xf32, #tpu.memory_space<vmem>>
    %dma_start3A_610 = tpu.memref_squeeze %dma_start3A_609 : memref<1x1600x32xf32, #tpu.memory_space<vmem>> -> memref<1600x32xf32, #tpu.memory_space<vmem>>
    %dma_start3A_611 = arith.constant 0 : i32
    %dma_start3A_612 = tpu.memref_slice %arg4[%multiple_of3A_605, %dma_start3A_611] : memref<819200x32xf32, #tpu.memory_space<hbm>> -> memref<1600x32xf32, #tpu.memory_space<hbm>>
    %dma_start3A_613 = arith.constant 0 : i32
    %dma_start3A_614 = tpu.memref_slice %arg4[%multiple_of3A_605, %dma_start3A_613] : memref<819200x32xf32, #tpu.memory_space<hbm>> -> memref<1600x32xf32, #tpu.memory_space<hbm>>
    %dma_start3A_615 = arith.constant 0 : i32
    %dma_start3A_616 = arith.constant 0 : i32
    %dma_start3A_617 = tpu.memref_slice %arg6[%dma_start3A_606, %dma_start3A_615, %dma_start3A_616] : memref<2x1600x32xf32, #tpu.memory_space<vmem>> -> memref<1x1600x32xf32, #tpu.memory_space<vmem>>
    %dma_start3A_618 = tpu.memref_squeeze %dma_start3A_617 : memref<1x1600x32xf32, #tpu.memory_space<vmem>> -> memref<1600x32xf32, #tpu.memory_space<vmem>>
    tpu.enqueue_dma source(%dma_start3A_618 : memref<1600x32xf32, #tpu.memory_space<vmem>>) target(%dma_start3A_614 : memref<1600x32xf32, #tpu.memory_space<hbm>>) target_semaphore(%arg11 : memref<!tpu.dma_semaphore, #tpu.memory_space<semaphore_mem>>)
    %add3A_619 = arith.constant 17600 : i32
    %add3A_620 = arith.addi %mul3A_2, %add3A_619 : i32
    %multiple_of3A_621 = tpu.assume_multiple %add3A_620, 1600 : i32
    %dma_wait3A_622 = arith.constant 1 : i32
    %dma_wait3A_623 = arith.constant 0 : i32
    %dma_wait3A_624 = arith.constant 0 : i32
    %dma_wait3A_625 = tpu.memref_slice %arg6[%dma_wait3A_622, %dma_wait3A_623, %dma_wait3A_624] : memref<2x1600x32xf32, #tpu.memory_space<vmem>> -> memref<1x1600x32xf32, #tpu.memory_space<vmem>>
    %dma_wait3A_626 = tpu.memref_squeeze %dma_wait3A_625 : memref<1x1600x32xf32, #tpu.memory_space<vmem>> -> memref<1600x32xf32, #tpu.memory_space<vmem>>
    %dma_wait3A_627 = arith.constant 0 : i32
    %dma_wait3A_628 = tpu.memref_slice %arg4[%multiple_of3A_621, %dma_wait3A_627] : memref<819200x32xf32, #tpu.memory_space<hbm>> -> memref<1600x32xf32, #tpu.memory_space<hbm>>
    %dma_wait3A_629 = arith.constant 0 : i32
    %dma_wait3A_630 = tpu.memref_slice %arg4[%multiple_of3A_621, %dma_wait3A_629] : memref<819200x32xf32, #tpu.memory_space<hbm>> -> memref<1600x32xf32, #tpu.memory_space<hbm>>
    %dma_wait3A_631 = arith.constant 0 : i32
    %dma_wait3A_632 = arith.constant 0 : i32
    %dma_wait3A_633 = tpu.memref_slice %arg6[%dma_wait3A_622, %dma_wait3A_631, %dma_wait3A_632] : memref<2x1600x32xf32, #tpu.memory_space<vmem>> -> memref<1x1600x32xf32, #tpu.memory_space<vmem>>
    %dma_wait3A_634 = tpu.memref_squeeze %dma_wait3A_633 : memref<1x1600x32xf32, #tpu.memory_space<vmem>> -> memref<1600x32xf32, #tpu.memory_space<vmem>>
    tpu.wait_dma2 semaphore(%arg11 : memref<!tpu.dma_semaphore, #tpu.memory_space<semaphore_mem>>) src(%dma_wait3A_634 : memref<1600x32xf32, #tpu.memory_space<vmem>>) dst(%dma_wait3A_630 : memref<1600x32xf32, #tpu.memory_space<hbm>>)
    %dma_start3A_635 = arith.constant 1 : i32
    %dma_start3A_636 = arith.constant 0 : i32
    %dma_start3A_637 = arith.constant 0 : i32
    %dma_start3A_638 = tpu.memref_slice %arg6[%dma_start3A_635, %dma_start3A_636, %dma_start3A_637] : memref<2x1600x32xf32, #tpu.memory_space<vmem>> -> memref<1x1600x32xf32, #tpu.memory_space<vmem>>
    %dma_start3A_639 = tpu.memref_squeeze %dma_start3A_638 : memref<1x1600x32xf32, #tpu.memory_space<vmem>> -> memref<1600x32xf32, #tpu.memory_space<vmem>>
    %dma_start3A_640 = arith.constant 20800 : i32
    %dma_start3A_641 = tpu.memref_slice %arg5[%dma_start3A_640] : memref<25600xi32, #tpu.memory_space<vmem>> -> memref<1600xi32, #tpu.memory_space<vmem>>
    %dma_start3A_642 = arith.constant 0 : i32
    %dma_start3A_643 = arith.constant 0 : i32
    %dma_start3A_644 = tpu.memref_slice %arg3[%dma_start3A_642, %dma_start3A_643] : memref<100000x32xf32, #tpu.memory_space<hbm>> -> memref<100000x32xf32, #tpu.memory_space<hbm>>
    tpu.enqueue_indirect_dma source(%dma_start3A_644 : memref<100000x32xf32, #tpu.memory_space<hbm>>) target(%dma_start3A_639 : memref<1600x32xf32, #tpu.memory_space<vmem>>) offsets(%dma_start3A_641 : memref<1600xi32, #tpu.memory_space<vmem>>) semaphore(%arg9 : memref<!tpu.dma_semaphore, #tpu.memory_space<semaphore_mem>>)
    %dma_wait3A_645 = arith.constant 0 : i32
    %dma_wait3A_646 = arith.constant 0 : i32
    %dma_wait3A_647 = arith.constant 0 : i32
    %dma_wait3A_648 = tpu.memref_slice %arg6[%dma_wait3A_645, %dma_wait3A_646, %dma_wait3A_647] : memref<2x1600x32xf32, #tpu.memory_space<vmem>> -> memref<1x1600x32xf32, #tpu.memory_space<vmem>>
    %dma_wait3A_649 = tpu.memref_squeeze %dma_wait3A_648 : memref<1x1600x32xf32, #tpu.memory_space<vmem>> -> memref<1600x32xf32, #tpu.memory_space<vmem>>
    %dma_wait3A_650 = arith.constant 19200 : i32
    %dma_wait3A_651 = tpu.memref_slice %arg5[%dma_wait3A_650] : memref<25600xi32, #tpu.memory_space<vmem>> -> memref<1600xi32, #tpu.memory_space<vmem>>
    %dma_wait3A_652 = arith.constant 0 : i32
    %dma_wait3A_653 = arith.constant 0 : i32
    %dma_wait3A_654 = tpu.memref_slice %arg3[%dma_wait3A_652, %dma_wait3A_653] : memref<100000x32xf32, #tpu.memory_space<hbm>> -> memref<100000x32xf32, #tpu.memory_space<hbm>>
    tpu.wait_indirect_dma semaphore(%arg8 : memref<!tpu.dma_semaphore, #tpu.memory_space<semaphore_mem>>) src(%dma_wait3A_654 : memref<100000x32xf32, #tpu.memory_space<hbm>>) dst(%dma_wait3A_649 : memref<1600x32xf32, #tpu.memory_space<vmem>>)
    %add3A_655 = arith.constant 19200 : i32
    %add3A_656 = arith.addi %mul3A_2, %add3A_655 : i32
    %multiple_of3A_657 = tpu.assume_multiple %add3A_656, 1600 : i32
    %dma_start3A_658 = arith.constant 0 : i32
    %dma_start3A_659 = arith.constant 0 : i32
    %dma_start3A_660 = arith.constant 0 : i32
    %dma_start3A_661 = tpu.memref_slice %arg6[%dma_start3A_658, %dma_start3A_659, %dma_start3A_660] : memref<2x1600x32xf32, #tpu.memory_space<vmem>> -> memref<1x1600x32xf32, #tpu.memory_space<vmem>>
    %dma_start3A_662 = tpu.memref_squeeze %dma_start3A_661 : memref<1x1600x32xf32, #tpu.memory_space<vmem>> -> memref<1600x32xf32, #tpu.memory_space<vmem>>
    %dma_start3A_663 = arith.constant 0 : i32
    %dma_start3A_664 = tpu.memref_slice %arg4[%multiple_of3A_657, %dma_start3A_663] : memref<819200x32xf32, #tpu.memory_space<hbm>> -> memref<1600x32xf32, #tpu.memory_space<hbm>>
    %dma_start3A_665 = arith.constant 0 : i32
    %dma_start3A_666 = tpu.memref_slice %arg4[%multiple_of3A_657, %dma_start3A_665] : memref<819200x32xf32, #tpu.memory_space<hbm>> -> memref<1600x32xf32, #tpu.memory_space<hbm>>
    %dma_start3A_667 = arith.constant 0 : i32
    %dma_start3A_668 = arith.constant 0 : i32
    %dma_start3A_669 = tpu.memref_slice %arg6[%dma_start3A_658, %dma_start3A_667, %dma_start3A_668] : memref<2x1600x32xf32, #tpu.memory_space<vmem>> -> memref<1x1600x32xf32, #tpu.memory_space<vmem>>
    %dma_start3A_670 = tpu.memref_squeeze %dma_start3A_669 : memref<1x1600x32xf32, #tpu.memory_space<vmem>> -> memref<1600x32xf32, #tpu.memory_space<vmem>>
    tpu.enqueue_dma source(%dma_start3A_670 : memref<1600x32xf32, #tpu.memory_space<vmem>>) target(%dma_start3A_666 : memref<1600x32xf32, #tpu.memory_space<hbm>>) target_semaphore(%arg10 : memref<!tpu.dma_semaphore, #tpu.memory_space<semaphore_mem>>)
    %add3A_671 = arith.constant 19200 : i32
    %add3A_672 = arith.addi %mul3A_2, %add3A_671 : i32
    %multiple_of3A_673 = tpu.assume_multiple %add3A_672, 1600 : i32
    %dma_wait3A_674 = arith.constant 0 : i32
    %dma_wait3A_675 = arith.constant 0 : i32
    %dma_wait3A_676 = arith.constant 0 : i32
    %dma_wait3A_677 = tpu.memref_slice %arg6[%dma_wait3A_674, %dma_wait3A_675, %dma_wait3A_676] : memref<2x1600x32xf32, #tpu.memory_space<vmem>> -> memref<1x1600x32xf32, #tpu.memory_space<vmem>>
    %dma_wait3A_678 = tpu.memref_squeeze %dma_wait3A_677 : memref<1x1600x32xf32, #tpu.memory_space<vmem>> -> memref<1600x32xf32, #tpu.memory_space<vmem>>
    %dma_wait3A_679 = arith.constant 0 : i32
    %dma_wait3A_680 = tpu.memref_slice %arg4[%multiple_of3A_673, %dma_wait3A_679] : memref<819200x32xf32, #tpu.memory_space<hbm>> -> memref<1600x32xf32, #tpu.memory_space<hbm>>
    %dma_wait3A_681 = arith.constant 0 : i32
    %dma_wait3A_682 = tpu.memref_slice %arg4[%multiple_of3A_673, %dma_wait3A_681] : memref<819200x32xf32, #tpu.memory_space<hbm>> -> memref<1600x32xf32, #tpu.memory_space<hbm>>
    %dma_wait3A_683 = arith.constant 0 : i32
    %dma_wait3A_684 = arith.constant 0 : i32
    %dma_wait3A_685 = tpu.memref_slice %arg6[%dma_wait3A_674, %dma_wait3A_683, %dma_wait3A_684] : memref<2x1600x32xf32, #tpu.memory_space<vmem>> -> memref<1x1600x32xf32, #tpu.memory_space<vmem>>
    %dma_wait3A_686 = tpu.memref_squeeze %dma_wait3A_685 : memref<1x1600x32xf32, #tpu.memory_space<vmem>> -> memref<1600x32xf32, #tpu.memory_space<vmem>>
    tpu.wait_dma2 semaphore(%arg10 : memref<!tpu.dma_semaphore, #tpu.memory_space<semaphore_mem>>) src(%dma_wait3A_686 : memref<1600x32xf32, #tpu.memory_space<vmem>>) dst(%dma_wait3A_682 : memref<1600x32xf32, #tpu.memory_space<hbm>>)
    %dma_start3A_687 = arith.constant 0 : i32
    %dma_start3A_688 = arith.constant 0 : i32
    %dma_start3A_689 = arith.constant 0 : i32
    %dma_start3A_690 = tpu.memref_slice %arg6[%dma_start3A_687, %dma_start3A_688, %dma_start3A_689] : memref<2x1600x32xf32, #tpu.memory_space<vmem>> -> memref<1x1600x32xf32, #tpu.memory_space<vmem>>
    %dma_start3A_691 = tpu.memref_squeeze %dma_start3A_690 : memref<1x1600x32xf32, #tpu.memory_space<vmem>> -> memref<1600x32xf32, #tpu.memory_space<vmem>>
    %dma_start3A_692 = arith.constant 22400 : i32
    %dma_start3A_693 = tpu.memref_slice %arg5[%dma_start3A_692] : memref<25600xi32, #tpu.memory_space<vmem>> -> memref<1600xi32, #tpu.memory_space<vmem>>
    %dma_start3A_694 = arith.constant 0 : i32
    %dma_start3A_695 = arith.constant 0 : i32
    %dma_start3A_696 = tpu.memref_slice %arg3[%dma_start3A_694, %dma_start3A_695] : memref<100000x32xf32, #tpu.memory_space<hbm>> -> memref<100000x32xf32, #tpu.memory_space<hbm>>
    tpu.enqueue_indirect_dma source(%dma_start3A_696 : memref<100000x32xf32, #tpu.memory_space<hbm>>) target(%dma_start3A_691 : memref<1600x32xf32, #tpu.memory_space<vmem>>) offsets(%dma_start3A_693 : memref<1600xi32, #tpu.memory_space<vmem>>) semaphore(%arg8 : memref<!tpu.dma_semaphore, #tpu.memory_space<semaphore_mem>>)
    %dma_wait3A_697 = arith.constant 1 : i32
    %dma_wait3A_698 = arith.constant 0 : i32
    %dma_wait3A_699 = arith.constant 0 : i32
    %dma_wait3A_700 = tpu.memref_slice %arg6[%dma_wait3A_697, %dma_wait3A_698, %dma_wait3A_699] : memref<2x1600x32xf32, #tpu.memory_space<vmem>> -> memref<1x1600x32xf32, #tpu.memory_space<vmem>>
    %dma_wait3A_701 = tpu.memref_squeeze %dma_wait3A_700 : memref<1x1600x32xf32, #tpu.memory_space<vmem>> -> memref<1600x32xf32, #tpu.memory_space<vmem>>
    %dma_wait3A_702 = arith.constant 20800 : i32
    %dma_wait3A_703 = tpu.memref_slice %arg5[%dma_wait3A_702] : memref<25600xi32, #tpu.memory_space<vmem>> -> memref<1600xi32, #tpu.memory_space<vmem>>
    %dma_wait3A_704 = arith.constant 0 : i32
    %dma_wait3A_705 = arith.constant 0 : i32
    %dma_wait3A_706 = tpu.memref_slice %arg3[%dma_wait3A_704, %dma_wait3A_705] : memref<100000x32xf32, #tpu.memory_space<hbm>> -> memref<100000x32xf32, #tpu.memory_space<hbm>>
    tpu.wait_indirect_dma semaphore(%arg9 : memref<!tpu.dma_semaphore, #tpu.memory_space<semaphore_mem>>) src(%dma_wait3A_706 : memref<100000x32xf32, #tpu.memory_space<hbm>>) dst(%dma_wait3A_701 : memref<1600x32xf32, #tpu.memory_space<vmem>>)
    %add3A_707 = arith.constant 20800 : i32
    %add3A_708 = arith.addi %mul3A_2, %add3A_707 : i32
    %multiple_of3A_709 = tpu.assume_multiple %add3A_708, 1600 : i32
    %dma_start3A_710 = arith.constant 1 : i32
    %dma_start3A_711 = arith.constant 0 : i32
    %dma_start3A_712 = arith.constant 0 : i32
    %dma_start3A_713 = tpu.memref_slice %arg6[%dma_start3A_710, %dma_start3A_711, %dma_start3A_712] : memref<2x1600x32xf32, #tpu.memory_space<vmem>> -> memref<1x1600x32xf32, #tpu.memory_space<vmem>>
    %dma_start3A_714 = tpu.memref_squeeze %dma_start3A_713 : memref<1x1600x32xf32, #tpu.memory_space<vmem>> -> memref<1600x32xf32, #tpu.memory_space<vmem>>
    %dma_start3A_715 = arith.constant 0 : i32
    %dma_start3A_716 = tpu.memref_slice %arg4[%multiple_of3A_709, %dma_start3A_715] : memref<819200x32xf32, #tpu.memory_space<hbm>> -> memref<1600x32xf32, #tpu.memory_space<hbm>>
    %dma_start3A_717 = arith.constant 0 : i32
    %dma_start3A_718 = tpu.memref_slice %arg4[%multiple_of3A_709, %dma_start3A_717] : memref<819200x32xf32, #tpu.memory_space<hbm>> -> memref<1600x32xf32, #tpu.memory_space<hbm>>
    %dma_start3A_719 = arith.constant 0 : i32
    %dma_start3A_720 = arith.constant 0 : i32
    %dma_start3A_721 = tpu.memref_slice %arg6[%dma_start3A_710, %dma_start3A_719, %dma_start3A_720] : memref<2x1600x32xf32, #tpu.memory_space<vmem>> -> memref<1x1600x32xf32, #tpu.memory_space<vmem>>
    %dma_start3A_722 = tpu.memref_squeeze %dma_start3A_721 : memref<1x1600x32xf32, #tpu.memory_space<vmem>> -> memref<1600x32xf32, #tpu.memory_space<vmem>>
    tpu.enqueue_dma source(%dma_start3A_722 : memref<1600x32xf32, #tpu.memory_space<vmem>>) target(%dma_start3A_718 : memref<1600x32xf32, #tpu.memory_space<hbm>>) target_semaphore(%arg11 : memref<!tpu.dma_semaphore, #tpu.memory_space<semaphore_mem>>)
    %add3A_723 = arith.constant 20800 : i32
    %add3A_724 = arith.addi %mul3A_2, %add3A_723 : i32
    %multiple_of3A_725 = tpu.assume_multiple %add3A_724, 1600 : i32
    %dma_wait3A_726 = arith.constant 1 : i32
    %dma_wait3A_727 = arith.constant 0 : i32
    %dma_wait3A_728 = arith.constant 0 : i32
    %dma_wait3A_729 = tpu.memref_slice %arg6[%dma_wait3A_726, %dma_wait3A_727, %dma_wait3A_728] : memref<2x1600x32xf32, #tpu.memory_space<vmem>> -> memref<1x1600x32xf32, #tpu.memory_space<vmem>>
    %dma_wait3A_730 = tpu.memref_squeeze %dma_wait3A_729 : memref<1x1600x32xf32, #tpu.memory_space<vmem>> -> memref<1600x32xf32, #tpu.memory_space<vmem>>
    %dma_wait3A_731 = arith.constant 0 : i32
    %dma_wait3A_732 = tpu.memref_slice %arg4[%multiple_of3A_725, %dma_wait3A_731] : memref<819200x32xf32, #tpu.memory_space<hbm>> -> memref<1600x32xf32, #tpu.memory_space<hbm>>
    %dma_wait3A_733 = arith.constant 0 : i32
    %dma_wait3A_734 = tpu.memref_slice %arg4[%multiple_of3A_725, %dma_wait3A_733] : memref<819200x32xf32, #tpu.memory_space<hbm>> -> memref<1600x32xf32, #tpu.memory_space<hbm>>
    %dma_wait3A_735 = arith.constant 0 : i32
    %dma_wait3A_736 = arith.constant 0 : i32
    %dma_wait3A_737 = tpu.memref_slice %arg6[%dma_wait3A_726, %dma_wait3A_735, %dma_wait3A_736] : memref<2x1600x32xf32, #tpu.memory_space<vmem>> -> memref<1x1600x32xf32, #tpu.memory_space<vmem>>
    %dma_wait3A_738 = tpu.memref_squeeze %dma_wait3A_737 : memref<1x1600x32xf32, #tpu.memory_space<vmem>> -> memref<1600x32xf32, #tpu.memory_space<vmem>>
    tpu.wait_dma2 semaphore(%arg11 : memref<!tpu.dma_semaphore, #tpu.memory_space<semaphore_mem>>) src(%dma_wait3A_738 : memref<1600x32xf32, #tpu.memory_space<vmem>>) dst(%dma_wait3A_734 : memref<1600x32xf32, #tpu.memory_space<hbm>>)
    %dma_start3A_739 = arith.constant 1 : i32
    %dma_start3A_740 = arith.constant 0 : i32
    %dma_start3A_741 = arith.constant 0 : i32
    %dma_start3A_742 = tpu.memref_slice %arg6[%dma_start3A_739, %dma_start3A_740, %dma_start3A_741] : memref<2x1600x32xf32, #tpu.memory_space<vmem>> -> memref<1x1600x32xf32, #tpu.memory_space<vmem>>
    %dma_start3A_743 = tpu.memref_squeeze %dma_start3A_742 : memref<1x1600x32xf32, #tpu.memory_space<vmem>> -> memref<1600x32xf32, #tpu.memory_space<vmem>>
    %dma_start3A_744 = arith.constant 24000 : i32
    %dma_start3A_745 = tpu.memref_slice %arg5[%dma_start3A_744] : memref<25600xi32, #tpu.memory_space<vmem>> -> memref<1600xi32, #tpu.memory_space<vmem>>
    %dma_start3A_746 = arith.constant 0 : i32
    %dma_start3A_747 = arith.constant 0 : i32
    %dma_start3A_748 = tpu.memref_slice %arg3[%dma_start3A_746, %dma_start3A_747] : memref<100000x32xf32, #tpu.memory_space<hbm>> -> memref<100000x32xf32, #tpu.memory_space<hbm>>
    tpu.enqueue_indirect_dma source(%dma_start3A_748 : memref<100000x32xf32, #tpu.memory_space<hbm>>) target(%dma_start3A_743 : memref<1600x32xf32, #tpu.memory_space<vmem>>) offsets(%dma_start3A_745 : memref<1600xi32, #tpu.memory_space<vmem>>) semaphore(%arg9 : memref<!tpu.dma_semaphore, #tpu.memory_space<semaphore_mem>>)
    %dma_wait3A_749 = arith.constant 0 : i32
    %dma_wait3A_750 = arith.constant 0 : i32
    %dma_wait3A_751 = arith.constant 0 : i32
    %dma_wait3A_752 = tpu.memref_slice %arg6[%dma_wait3A_749, %dma_wait3A_750, %dma_wait3A_751] : memref<2x1600x32xf32, #tpu.memory_space<vmem>> -> memref<1x1600x32xf32, #tpu.memory_space<vmem>>
    %dma_wait3A_753 = tpu.memref_squeeze %dma_wait3A_752 : memref<1x1600x32xf32, #tpu.memory_space<vmem>> -> memref<1600x32xf32, #tpu.memory_space<vmem>>
    %dma_wait3A_754 = arith.constant 22400 : i32
    %dma_wait3A_755 = tpu.memref_slice %arg5[%dma_wait3A_754] : memref<25600xi32, #tpu.memory_space<vmem>> -> memref<1600xi32, #tpu.memory_space<vmem>>
    %dma_wait3A_756 = arith.constant 0 : i32
    %dma_wait3A_757 = arith.constant 0 : i32
    %dma_wait3A_758 = tpu.memref_slice %arg3[%dma_wait3A_756, %dma_wait3A_757] : memref<100000x32xf32, #tpu.memory_space<hbm>> -> memref<100000x32xf32, #tpu.memory_space<hbm>>
    tpu.wait_indirect_dma semaphore(%arg8 : memref<!tpu.dma_semaphore, #tpu.memory_space<semaphore_mem>>) src(%dma_wait3A_758 : memref<100000x32xf32, #tpu.memory_space<hbm>>) dst(%dma_wait3A_753 : memref<1600x32xf32, #tpu.memory_space<vmem>>)
    %add3A_759 = arith.constant 22400 : i32
    %add3A_760 = arith.addi %mul3A_2, %add3A_759 : i32
    %multiple_of3A_761 = tpu.assume_multiple %add3A_760, 1600 : i32
    %dma_start3A_762 = arith.constant 0 : i32
    %dma_start3A_763 = arith.constant 0 : i32
    %dma_start3A_764 = arith.constant 0 : i32
    %dma_start3A_765 = tpu.memref_slice %arg6[%dma_start3A_762, %dma_start3A_763, %dma_start3A_764] : memref<2x1600x32xf32, #tpu.memory_space<vmem>> -> memref<1x1600x32xf32, #tpu.memory_space<vmem>>
    %dma_start3A_766 = tpu.memref_squeeze %dma_start3A_765 : memref<1x1600x32xf32, #tpu.memory_space<vmem>> -> memref<1600x32xf32, #tpu.memory_space<vmem>>
    %dma_start3A_767 = arith.constant 0 : i32
    %dma_start3A_768 = tpu.memref_slice %arg4[%multiple_of3A_761, %dma_start3A_767] : memref<819200x32xf32, #tpu.memory_space<hbm>> -> memref<1600x32xf32, #tpu.memory_space<hbm>>
    %dma_start3A_769 = arith.constant 0 : i32
    %dma_start3A_770 = tpu.memref_slice %arg4[%multiple_of3A_761, %dma_start3A_769] : memref<819200x32xf32, #tpu.memory_space<hbm>> -> memref<1600x32xf32, #tpu.memory_space<hbm>>
    %dma_start3A_771 = arith.constant 0 : i32
    %dma_start3A_772 = arith.constant 0 : i32
    %dma_start3A_773 = tpu.memref_slice %arg6[%dma_start3A_762, %dma_start3A_771, %dma_start3A_772] : memref<2x1600x32xf32, #tpu.memory_space<vmem>> -> memref<1x1600x32xf32, #tpu.memory_space<vmem>>
    %dma_start3A_774 = tpu.memref_squeeze %dma_start3A_773 : memref<1x1600x32xf32, #tpu.memory_space<vmem>> -> memref<1600x32xf32, #tpu.memory_space<vmem>>
    tpu.enqueue_dma source(%dma_start3A_774 : memref<1600x32xf32, #tpu.memory_space<vmem>>) target(%dma_start3A_770 : memref<1600x32xf32, #tpu.memory_space<hbm>>) target_semaphore(%arg10 : memref<!tpu.dma_semaphore, #tpu.memory_space<semaphore_mem>>)
    %dma_wait3A_775 = arith.constant 1 : i32
    %dma_wait3A_776 = arith.constant 0 : i32
    %dma_wait3A_777 = arith.constant 0 : i32
    %dma_wait3A_778 = tpu.memref_slice %arg6[%dma_wait3A_775, %dma_wait3A_776, %dma_wait3A_777] : memref<2x1600x32xf32, #tpu.memory_space<vmem>> -> memref<1x1600x32xf32, #tpu.memory_space<vmem>>
    %dma_wait3A_779 = tpu.memref_squeeze %dma_wait3A_778 : memref<1x1600x32xf32, #tpu.memory_space<vmem>> -> memref<1600x32xf32, #tpu.memory_space<vmem>>
    %dma_wait3A_780 = arith.constant 24000 : i32
    %dma_wait3A_781 = tpu.memref_slice %arg5[%dma_wait3A_780] : memref<25600xi32, #tpu.memory_space<vmem>> -> memref<1600xi32, #tpu.memory_space<vmem>>
    %dma_wait3A_782 = arith.constant 0 : i32
    %dma_wait3A_783 = arith.constant 0 : i32
    %dma_wait3A_784 = tpu.memref_slice %arg3[%dma_wait3A_782, %dma_wait3A_783] : memref<100000x32xf32, #tpu.memory_space<hbm>> -> memref<100000x32xf32, #tpu.memory_space<hbm>>
    tpu.wait_indirect_dma semaphore(%arg9 : memref<!tpu.dma_semaphore, #tpu.memory_space<semaphore_mem>>) src(%dma_wait3A_784 : memref<100000x32xf32, #tpu.memory_space<hbm>>) dst(%dma_wait3A_779 : memref<1600x32xf32, #tpu.memory_space<vmem>>)
    %add3A_785 = arith.constant 24000 : i32
    %add3A_786 = arith.addi %mul3A_2, %add3A_785 : i32
    %multiple_of3A_787 = tpu.assume_multiple %add3A_786, 1600 : i32
    %dma_start3A_788 = arith.constant 1 : i32
    %dma_start3A_789 = arith.constant 0 : i32
    %dma_start3A_790 = arith.constant 0 : i32
    %dma_start3A_791 = tpu.memref_slice %arg6[%dma_start3A_788, %dma_start3A_789, %dma_start3A_790] : memref<2x1600x32xf32, #tpu.memory_space<vmem>> -> memref<1x1600x32xf32, #tpu.memory_space<vmem>>
    %dma_start3A_792 = tpu.memref_squeeze %dma_start3A_791 : memref<1x1600x32xf32, #tpu.memory_space<vmem>> -> memref<1600x32xf32, #tpu.memory_space<vmem>>
    %dma_start3A_793 = arith.constant 0 : i32
    %dma_start3A_794 = tpu.memref_slice %arg4[%multiple_of3A_787, %dma_start3A_793] : memref<819200x32xf32, #tpu.memory_space<hbm>> -> memref<1600x32xf32, #tpu.memory_space<hbm>>
    %dma_start3A_795 = arith.constant 0 : i32
    %dma_start3A_796 = tpu.memref_slice %arg4[%multiple_of3A_787, %dma_start3A_795] : memref<819200x32xf32, #tpu.memory_space<hbm>> -> memref<1600x32xf32, #tpu.memory_space<hbm>>
    %dma_start3A_797 = arith.constant 0 : i32
    %dma_start3A_798 = arith.constant 0 : i32
    %dma_start3A_799 = tpu.memref_slice %arg6[%dma_start3A_788, %dma_start3A_797, %dma_start3A_798] : memref<2x1600x32xf32, #tpu.memory_space<vmem>> -> memref<1x1600x32xf32, #tpu.memory_space<vmem>>
    %dma_start3A_800 = tpu.memref_squeeze %dma_start3A_799 : memref<1x1600x32xf32, #tpu.memory_space<vmem>> -> memref<1600x32xf32, #tpu.memory_space<vmem>>
    tpu.enqueue_dma source(%dma_start3A_800 : memref<1600x32xf32, #tpu.memory_space<vmem>>) target(%dma_start3A_796 : memref<1600x32xf32, #tpu.memory_space<hbm>>) target_semaphore(%arg11 : memref<!tpu.dma_semaphore, #tpu.memory_space<semaphore_mem>>)
    %add3A_801 = arith.constant 22400 : i32
    %add3A_802 = arith.addi %mul3A_2, %add3A_801 : i32
    %multiple_of3A_803 = tpu.assume_multiple %add3A_802, 1600 : i32
    %dma_wait3A_804 = arith.constant 0 : i32
    %dma_wait3A_805 = arith.constant 0 : i32
    %dma_wait3A_806 = arith.constant 0 : i32
    %dma_wait3A_807 = tpu.memref_slice %arg6[%dma_wait3A_804, %dma_wait3A_805, %dma_wait3A_806] : memref<2x1600x32xf32, #tpu.memory_space<vmem>> -> memref<1x1600x32xf32, #tpu.memory_space<vmem>>
    %dma_wait3A_808 = tpu.memref_squeeze %dma_wait3A_807 : memref<1x1600x32xf32, #tpu.memory_space<vmem>> -> memref<1600x32xf32, #tpu.memory_space<vmem>>
    %dma_wait3A_809 = arith.constant 0 : i32
    %dma_wait3A_810 = tpu.memref_slice %arg4[%multiple_of3A_803, %dma_wait3A_809] : memref<819200x32xf32, #tpu.memory_space<hbm>> -> memref<1600x32xf32, #tpu.memory_space<hbm>>
    %dma_wait3A_811 = arith.constant 0 : i32
    %dma_wait3A_812 = tpu.memref_slice %arg4[%multiple_of3A_803, %dma_wait3A_811] : memref<819200x32xf32, #tpu.memory_space<hbm>> -> memref<1600x32xf32, #tpu.memory_space<hbm>>
    %dma_wait3A_813 = arith.constant 0 : i32
    %dma_wait3A_814 = arith.constant 0 : i32
    %dma_wait3A_815 = tpu.memref_slice %arg6[%dma_wait3A_804, %dma_wait3A_813, %dma_wait3A_814] : memref<2x1600x32xf32, #tpu.memory_space<vmem>> -> memref<1x1600x32xf32, #tpu.memory_space<vmem>>
    %dma_wait3A_816 = tpu.memref_squeeze %dma_wait3A_815 : memref<1x1600x32xf32, #tpu.memory_space<vmem>> -> memref<1600x32xf32, #tpu.memory_space<vmem>>
    tpu.wait_dma2 semaphore(%arg10 : memref<!tpu.dma_semaphore, #tpu.memory_space<semaphore_mem>>) src(%dma_wait3A_816 : memref<1600x32xf32, #tpu.memory_space<vmem>>) dst(%dma_wait3A_812 : memref<1600x32xf32, #tpu.memory_space<hbm>>)
    %add3A_817 = arith.constant 24000 : i32
    %add3A_818 = arith.addi %mul3A_2, %add3A_817 : i32
    %multiple_of3A_819 = tpu.assume_multiple %add3A_818, 1600 : i32
    %dma_wait3A_820 = arith.constant 1 : i32
    %dma_wait3A_821 = arith.constant 0 : i32
    %dma_wait3A_822 = arith.constant 0 : i32
    %dma_wait3A_823 = tpu.memref_slice %arg6[%dma_wait3A_820, %dma_wait3A_821, %dma_wait3A_822] : memref<2x1600x32xf32, #tpu.memory_space<vmem>> -> memref<1x1600x32xf32, #tpu.memory_space<vmem>>
    %dma_wait3A_824 = tpu.memref_squeeze %dma_wait3A_823 : memref<1x1600x32xf32, #tpu.memory_space<vmem>> -> memref<1600x32xf32, #tpu.memory_space<vmem>>
    %dma_wait3A_825 = arith.constant 0 : i32
    %dma_wait3A_826 = tpu.memref_slice %arg4[%multiple_of3A_819, %dma_wait3A_825] : memref<819200x32xf32, #tpu.memory_space<hbm>> -> memref<1600x32xf32, #tpu.memory_space<hbm>>
    %dma_wait3A_827 = arith.constant 0 : i32
    %dma_wait3A_828 = tpu.memref_slice %arg4[%multiple_of3A_819, %dma_wait3A_827] : memref<819200x32xf32, #tpu.memory_space<hbm>> -> memref<1600x32xf32, #tpu.memory_space<hbm>>
    %dma_wait3A_829 = arith.constant 0 : i32
    %dma_wait3A_830 = arith.constant 0 : i32
    %dma_wait3A_831 = tpu.memref_slice %arg6[%dma_wait3A_820, %dma_wait3A_829, %dma_wait3A_830] : memref<2x1600x32xf32, #tpu.memory_space<vmem>> -> memref<1x1600x32xf32, #tpu.memory_space<vmem>>
    %dma_wait3A_832 = tpu.memref_squeeze %dma_wait3A_831 : memref<1x1600x32xf32, #tpu.memory_space<vmem>> -> memref<1600x32xf32, #tpu.memory_space<vmem>>
    tpu.wait_dma2 semaphore(%arg11 : memref<!tpu.dma_semaphore, #tpu.memory_space<semaphore_mem>>) src(%dma_wait3A_832 : memref<1600x32xf32, #tpu.memory_space<vmem>>) dst(%dma_wait3A_828 : memref<1600x32xf32, #tpu.memory_space<hbm>>)
    return
  }
}

</mosaic_0001>

<sc_bundles>
// kernel: kernel.3.cloned.1.call-start
scs
__scs_entry_jumppad:
0x0: {  	(pc) =	sbr.rel $0x88, $3  }
0x1: {  	(tag) =	ssettag $0x0;
	lr =	simm.s32 $0x1  }
0x2: {  	[smem:$0x3F9F] =	sst lr;
	_ =	strace $0xD0000000  }
0x3: {  	_ = 	snop  }
0x4: {  	_ = 	snop  }
0x5: {  	_ = 	snop  }
0x6: {  	_ = 	snop  }
0x7: {  	_ = 	snop  }
__scs_overlays_trampoline_lowered:
0x8: {  	[smem:$0x3FAE] =	sst s0  }
0x9: {  	[smem:$0x3FAF] =	sst s1  }
0xa: {  	[smem:$0x3FB0] =	sst s2  }
0xb: {  	[smem:$0x3FB1] =	sst s3  }
0xc: {  	[smem:$0x3FB2] =	sst s4  }
0xd: {  	[smem:$0x3FB3] =	sst s5  }
0xe: {  	[smem:$0x3FB4] =	sst s6  }
0xf: {  	[smem:$0x3FB5] =	sst s7  }
0x10: {  	[smem:$0x3FB6] =	sst s8  }
0x11: {  	[smem:$0x3FB7] =	sst s9;
	s0 =	simm.s32 @!p0 $0x0  }
0x12: {  	s1 =	sld [smem:$0x3F9D];
	s0 =	simm.s32 @p0 $0x1  }
0x13: {  	[smem:$0x3FB8] =	sst s0;
	s0 =	simm.s32 @!p1 $0x0  }
0x14: {  	s2 =	sld [smem:$0x3F9C];
	s0 =	simm.s32 @p1 $0x1  }
0x15: {  	[smem:$0x3FB9] =	sst s0;
	s0 =	simm.s32 @!p2 $0x0  }
0x16: {  	s3 =	sld [smem:$0x3FDB];
	s0 =	simm.s32 @p2 $0x1  }
0x17: {  	s4 =	simm.s32 $0x1BF5;
	[smem:$0x3FBB] =	sst s0  }
0x18: {  	s0 =	sld [smem:$0x3F9E];
	_ =	swait.ge [sflag:s4], $0x0  }
0x19: {  	s7 =	sld [smem:$0x3F9F]  }
0x1a: {  	s8 =	sadd.s32 $0xFFFFE003, lr  }
0x1b: {  	s9 =	sadd.s32 $0xFFFFFEF7, lr;
	s5 =	simm.s32 $0xFFFFFFFF;
	p2 =	slt.u32 s8, $0xFFFFF086  }
0x1c: {  	p1 =	slt.u32 s9, $0xF7A;
	s5 =	simm.s32 @!p2 $0x0  }
0x1d: {  	s5 =	simm.s32 @p1 $0x1;
	p0 =	seq.s32 s7, s2  }
0x1e: {  	s7 =	smul.u32 @!p0 $0xF7A, s2;
	p2 =	seq.s32 @!p0 s5, $0x0  }
0x1f: {  	s9 =	smul.u32 $0xF7A, s1;
	s8 =	simm.s32 @!p0 $0x1BF5;
	p2 =	por !p2, p0  }
0x20: {  	[sflag:s8] =	ssyncset.s32 @!p0 $0xFFFFF086;
	s6 =	sadd.s32 @!p0 s3, s7;
	s7 =	simm.s32 @!p0 $0x108  }
0x21: {  	s3 =	sadd.s32 s3, s9;
	s6 =	sadd.s32 @!p0 $0x88, s6;
	s7 =	simm.s32 @p2 $0x1082  }
0x22: {  	[simem:s7], [sflag:s8] =	dma.local @!p0 [hbm:s6], $0xF7A  }
0x23: {  	s9 =	sor.u32 $0xD0000000, s2;
	s6 =	simm.s32 $0x108;
	_ =	swait.ge @!p0 [sflag:s8], $0x0  }
0x24: {  	s3 =	sadd.s32 $0x88, s3;
	s6 =	simm.s32 @!p1 $0x1082;
	[sflag:s4] =	ssyncset.s32 $0xFFFFF086  }
0x25: {  	[simem:s6], [sflag:s4] =	dma.local [hbm:s3], $0xF7A  }
0x26: {  	[smem:$0x3F9F] =	sst s1;
	(tag) =	ssettag s2;
	_ =	strace s9  }
0x27: {  	s1 =	sld [smem:$0x3FAF]  }
0x28: {  	s2 =	sld [smem:$0x3FB0]  }
0x29: {  	s4 =	sld [smem:$0x3FB2]  }
0x2a: {  	p0 =	seq.s32 s5, $0x0;
	s5 =	sld [smem:$0x3FB3]  }
0x2b: {  	s6 =	sld [smem:$0x3FB4]  }
0x2c: {  	s7 =	sld [smem:$0x3FB5]  }
0x2d: {  	s3 =	simm.s32 $0x108;
	s8 =	sld [smem:$0x3FB6]  }
0x2e: {  	s3 =	simm.s32 @!p0 $0x1082;
	s9 =	sld [smem:$0x3FB7]  }
0x2f: {  	lr =	sadd.s32 s0, s3;
	s0 =	sld [smem:$0x3FAE]  }
0x30: {  	s3 =	sld [smem:$0x3FB1]  }
0x31: {  	[smem:$0x3FBA] =	sst s10  }
0x32: {  	s10 =	sld [smem:$0x3FB8];
	_ =	sdelay $0x3  }
0x33: {  	p0 =	seq.s32 s10, $0x1;
	s10 =	sld [smem:$0x3FBA];
	_ =	sdelay $0x3  }
0x34: {  	[smem:$0x3FBA] =	sst s10  }
0x35: {  	s10 =	sld [smem:$0x3FB9];
	_ =	sdelay $0x3  }
0x36: {  	p1 =	seq.s32 s10, $0x1;
	s10 =	sld [smem:$0x3FBA];
	_ =	sdelay $0x3  }
0x37: {  	[smem:$0x3FBA] =	sst s10  }
0x38: {  	s10 =	sld [smem:$0x3FBB]  }
0x39: {  	_ = 	snop;
	(pc) =	sbr.ind lr, $3  }
0x3a: {  	_ = 	snop  }
0x3b: {  	_ = 	snop  }
0x3c: {  	p2 =	seq.s32 s10, $0x1;
	s10 =	sld [smem:$0x3FBA]  }
0x3d: {  	_ =	shalt  }
0x3e: {  	_ =	shalt  }
0x3f: {  	_ =	shalt  }
0x40: {  	_ =	shalt  }
0x41: {  	_ =	shalt  }
0x42: {  	_ =	shalt  }
0x43: {  	_ =	shalt  }
0x44: {  	_ =	shalt  }
0x45: {  	_ =	shalt  }
0x46: {  	_ =	shalt  }
0x47: {  	_ =	shalt  }
0x48: {  	_ =	shalt  }
0x49: {  	_ =	shalt  }
0x4a: {  	_ =	shalt  }
0x4b: {  	_ =	shalt  }
0x4c: {  	_ =	shalt  }
0x4d: {  	_ =	shalt  }
0x4e: {  	_ =	shalt  }
0x4f: {  	_ =	shalt  }
0x50: {  	_ =	shalt  }
0x51: {  	_ =	shalt  }
0x52: {  	_ =	shalt  }
0x53: {  	_ =	shalt  }
0x54: {  	_ =	shalt  }
0x55: {  	_ =	shalt  }
0x56: {  	_ =	shalt  }
0x57: {  	_ =	shalt  }
0x58: {  	_ =	shalt  }
0x59: {  	_ =	shalt  }
0x5a: {  	_ =	shalt  }
0x5b: {  	_ =	shalt  }
0x5c: {  	_ =	shalt  }
0x5d: {  	_ =	shalt  }
0x5e: {  	_ =	shalt  }
0x5f: {  	_ =	shalt  }
0x60: {  	_ =	shalt  }
0x61: {  	_ =	shalt  }
0x62: {  	_ =	shalt  }
0x63: {  	_ =	shalt  }
0x64: {  	_ =	shalt  }
0x65: {  	_ =	shalt  }
0x66: {  	_ =	shalt  }
0x67: {  	_ =	shalt  }
0x68: {  	_ =	shalt  }
0x69: {  	_ =	shalt  }
0x6a: {  	_ =	shalt  }
0x6b: {  	_ =	shalt  }
0x6c: {  	_ =	shalt  }
0x6d: {  	_ =	shalt  }
0x6e: {  	_ =	shalt  }
0x6f: {  	_ =	shalt  }
0x70: {  	_ =	shalt  }
0x71: {  	_ =	shalt  }
0x72: {  	_ =	shalt  }
0x73: {  	_ =	shalt  }
0x74: {  	_ =	shalt  }
0x75: {  	_ =	shalt  }
0x76: {  	_ =	shalt  }
0x77: {  	_ =	shalt  }
0x78: {  	_ =	shalt  }
0x79: {  	_ =	shalt  }
0x7a: {  	_ =	shalt  }
0x7b: {  	_ =	shalt  }
0x7c: {  	_ =	shalt  }
0x7d: {  	_ =	shalt  }
0x7e: {  	_ =	shalt  }
0x7f: {  	_ =	shalt  }
0x80: {  	_ =	shalt  }
0x81: {  	_ =	shalt  }
0x82: {  	_ =	shalt  }
0x83: {  	_ =	shalt  }
0x84: {  	_ =	shalt  }
0x85: {  	_ =	shalt  }
0x86: {  	_ =	shalt  }
0x87: {  	_ =	shalt  }
.Lfunc_end0:
.L_simem_size_0:
called_computation.2_lowered:
.L_overlay_start_0:
0x88: {  	s2 =	sld [smem:$0x3FD9]  }
0x89: {  	s3 =	sld [smem:$0x3FFE];
	_ =	sdelay $0x1  }
0x8a: {  	s1 =	srdreg.scid  }
0x8b: {  	s0 =	sand.u32 $0x1, s1  }
0x8c: {  	s17 =	sshll.u32 s0, $0xA;
	s2 =	sadd.s32 s3, s2  }
0x8d: {  	s2 =	sadd.s32 s2, s17  }
0x8e: {  	[smem:$0x3FC6] =	sst s2  }
0x8f: {  	_ = 	snop  }
0x90: {  	s2 =	sld [smem:$0x3FD0];
	(tm) =	ssettm $0x1  }
0x91: {  	s18 =	sld [smem:$0x3FFB];
	_ =	sdelay $0x3  }
0x92: {  	_ =	strace s18  }
0x93: {  	s3 =	sld [smem:$0x3FFC];
	_ =	sdelay $0x3  }
0x94: {  	_ =	strace s3  }
0x95: {  	s3 =	sld [smem:$0x3FFD];
	_ =	sdelay $0x3  }
0x96: {  	_ =	strace s3  }
0x97: {  	_ =	strace $0x8FFFFFFF  }
0x98: {  	s19 =	sld [smem:$0x3FDB];
	_ =	sdelay $0x1  }
0x99: {  	s4 =	simm.s32 $_scs_section_size  }
0x9a: {  	s5 =	simm.s32 $_size__tile_overlayer_lowered;
	s6 =	simm.s32 $_tile_overlayer_lowered  }
0x9b: {  	s22 =	simm.s32 $0x1BFF;
	s21 =	sshll.u32 s6, $0x1;
	s3 =	sadd.s32 s4, s19  }
0x9c: {  	s7 =	simm.s32 $0x0;
	s20 =	sshll.u32 s5, $0x1;
	s5 =	sadd.s32 s21, s3  }
0x9d: {  	[timem:s7], [sflag:s22] =	dma.local [hbm:s5], s20  }
0x9e: {  	_ =	swait.ge [sflag:s22], s20  }
0x9f: {  	s4 =	ssub.s32 $0x0, s20;
	[sflag:s22] =	ssyncset.done $0x0  }
0xa0: {  	[sflag:s22] =	ssyncadd.s32 s4;
	_ =	sdelay $0x1  }
0xa1: {  	s23 =	simm.s32 $0x1B8B  }
0xa2: {  	_ =	swait.ge [sflag:s23], $0x1  }
0xa3: {  	[sflag:s23] =	ssyncset.done $0x0  }
0xa4: {  	s25 =	simm.s32 $0x1B8E;
	s24 =	sld [smem:$0x3FFE];
	[sflag:s23] =	ssyncadd.s32 $0xFFFFFFFF  }
0xa5: {  	s26 =	simm.s32 $execute0_lowered;
	[smem:$0x3FD2] =	sst s25  }
0xa6: {  	s5 =	sshll.u32 s26, $0x1;
	_ =	strace $0x80000046;
	[dreg:$0x1] =	wrdreg $0xFFFFFFFF  }
0xa7: {  	s28 =	simm.s32 $_size_execute0_lowered;
	s3 =	sadd.s32 s3, s5;
	[dreg:$0x0] =	wrdreg $0x0  }
0xa8: {  	s5 =	sshll.u32 s28, $0x1;
	[dreg:$0x2] =	wrdreg s3  }
0xa9: {  	[dreg:$0x3] =	wrdreg s5  }
0xaa: {  	[dreg:$0x4] =	wrdreg $0xC0  }
0xab: {  	_ =	task [dreg:s7], $0x5FFFF  }
0xac: {  	[dreg:$0x1] =	wrdreg $0xFFFFFFFF  }
0xad: {  	[dreg:$0x0] =	wrdreg $0x60  }
0xae: {  	[dreg:$0x2] =	wrdreg s24  }
0xaf: {  	[dreg:$0x3] =	wrdreg s2  }
0xb0: {  	[dreg:$0x4] =	wrdreg $0x9  }
0xb1: {  	_ =	task.clear_ibuf [dreg:s7], $0x5FFFF;
	_ =	strace $0x90000046  }
0xb2: {  	s29 =	simm.s32 $0x9;
	_ =	strace $0x80000048  }
0xb3: {  	_ =	swait.ge [sflag:s29], $0x1  }
0xb4: {  	[sflag:s29] =	ssyncadd.s32 $0xFFFFFFFF  }
0xb5: {  	_ =	strace $0x90000048  }
0xb6: {  	_ =	sfence  }
0xb7: {  	s30 =	sld [smem:$0x0];
	_ =	sdelay $0x2  }
0xb8: {  	s31 =	sshll.u32 s1, $0xD;
	s1 =	sshrl.u32 s1, $0x2  }
0xb9: {  	s3 =	sand.u32 $0x4000, s31;
	s1 =	sadd.s32 s1, s30  }
0xba: {  	s0 =	sor.u32 s3, s0;
	s1 =	sshll.u32 s1, $0x11  }
0xbb: {  	s0 =	sor.u32 s1, s0  }
0xbc: {  	s0 =	sadd.s32 $0x8F2B, s0  }
0xbd: {  	[sflag:s0] =	ssyncadd.remote.s32 $0x1  }
0xbe: {  	_ =	sfence.sel $0xFFFF  }
0xbf: {  	[dreg:$0x0] =	wrdreg $0xFFFFFFFF;
	(pc) =	sbr.abs _section_cstart, $3  }
0xc0: {  	[dreg:$0x1] =	wrdreg $0xFFFFFFFF  }
0xc1: {  	_ =	task.clear_ibuf [dreg:s7], $0x2FFFF;
	_ =	strace $0x9FFFFFFF  }
0xc2: {  	(tm) =	ssettm $0x7FFFFFFF  }
0xc3: {  	_ =	shalt  }
tec
execute0_lowered:
.L_overlay_start_1:
0x0: {  	(tag) =	ssettag $0x1  }
0x1: {  	s1 =	srdreg.scid;
	s0 =	stileid.u32  }
0x2: {  	s1 =	sand.u32 $0x1, s1;
	s2 =	sshll.u32 s0, $0x1  }
0x3: {  	s3 =	sor.u32 s1, s2  }
0x4: {  	s6 =	smul.u32 $0xC80, s3  }
0x5: {  	s5 =	rddreg [dreg:$0x0];
	s3 =	smul.u32 $0x19000, s3  }
0x6: {  	s4 =	rddreg [dreg:$0x1];
	s2 =	simm.s32 $0x0;
	s6 =	sadd.s32 s6, s5  }
0x7: {  	[smem:$0x7FF] =	sst s2;
	s3 =	sadd.s32 s4, s3;
	s6 =	sadd.s32 $0xC00, s6  }
0x8: {  	_ =	strace $0x80000047;
	s4 =	sadd.s32 $0x1900, s3;
	[dreg:$0x3] =	wrdreg s6  }
0x9: {  	s17 =	sadd.s32 $0x3200, s3;
	[dreg:$0x4] =	wrdreg s4  }
0xa: {  	s18 =	sadd.s32 $0x4B00, s3;
	[dreg:$0x5] =	wrdreg s17  }
0xb: {  	s19 =	sadd.s32 $0x6400, s3;
	[dreg:$0x6] =	wrdreg s18  }
0xc: {  	s20 =	sadd.s32 $0x7D00, s3;
	[dreg:$0x7] =	wrdreg s19  }
0xd: {  	s21 =	sadd.s32 $0x9600, s3;
	[dreg:$0x8] =	wrdreg s20  }
0xe: {  	s22 =	sadd.s32 $0xAF00, s3;
	[dreg:$0x9] =	wrdreg s21  }
0xf: {  	s23 =	sadd.s32 $0xC800, s3;
	[dreg:$0xa] =	wrdreg s22  }
0x10: {  	s24 =	sadd.s32 $0xE100, s3;
	[dreg:$0xb] =	wrdreg s23  }
0x11: {  	s25 =	sadd.s32 $0xFA00, s3;
	[dreg:$0xc] =	wrdreg s24  }
0x12: {  	s26 =	sadd.s32 $0x11300, s3;
	[dreg:$0xd] =	wrdreg s25  }
0x13: {  	[dreg:$0xe] =	wrdreg s26  }
0x14: {  	s4 =	simm.s32 $0x5;
	s6 =	rddreg [dreg:$0x3]  }
0x15: {  	[tilespmem:s2], [sflag:$0x5] =	stream.linear.gather [hbm4b:s6+s2], $0x6400, $0x38;
	[tilespmem:$0x1F400] =	vst v63  }
0x16: {  	_ =	swait.ge [sflag:s4], $0x6400  }
0x17: {  	s7 =	simm.s32 $0x6400;
	[sflag:s4] =	ssyncset.done $0x0  }
0x18: {  	s5 =	sadd.s32 $0x19C00, s5;
	s6 =	simm.s32 $0x640;
	[sflag:s4] =	ssyncadd.s32 $0xFFFF9C00  }
0x19: {  	[tilespmem:s7], [sflag:$0x1] =	stream.indirect.gather [hbm4b:s5+s6], $0x20, s2, s6, $0xb8;
	[tilespmem:$0x1F400] =	vst v63  }
0x1a: {  	s8 =	simm.s32 $0x12C00;
	s9 =	simm.s32 $0x1  }
0x1b: {  	[tilespmem:s8], [sflag:$0x2] =	stream.indirect.gather [hbm4b:s5+s6], $0x20, s6, s6, $0xb8;
	[tilespmem:$0x1F400] =	vst v63  }
0x1c: {  	_ =	swait.ge [sflag:s9], $0xC800  }
0x1d: {  	[sflag:s9] =	ssyncset.done $0x0  }
0x1e: {  	s10 =	simm.s32 $0x3;
	[sflag:s9] =	ssyncadd.s32 $0xFFFF3800  }
0x1f: {  	[hbm4b:s3+s2] =	stream.linear.scatter [tilespmem:s7], [sflag:$0x3], $0xC800, $0x38;
	[tilespmem:$0x1F400] =	vst v63  }
0x20: {  	_ =	swait.ge [sflag:s10], $0xC800  }
0x21: {  	[sflag:s10] =	ssyncset.done $0x0  }
0x22: {  	s11 =	simm.s32 $0xC80;
	s12 =	simm.s32 $0x2;
	[sflag:s10] =	ssyncadd.s32 $0xFFFF3800  }
0x23: {  	[tilespmem:s7], [sflag:$0x1] =	stream.indirect.gather [hbm4b:s5+s6], $0x20, s11, s6, $0xb8;
	[tilespmem:$0x1F400] =	vst v63  }
0x24: {  	_ =	swait.ge [sflag:s12], $0xC800  }
0x25: {  	[sflag:s12] =	ssyncset.done $0x0  }
0x26: {  	s13 =	simm.s32 $0x4;
	s14 =	rddreg [dreg:$0x4];
	[sflag:s12] =	ssyncadd.s32 $0xFFFF3800  }
0x27: {  	[hbm4b:s14+s2] =	stream.linear.scatter [tilespmem:s8], [sflag:$0x4], $0xC800, $0x38;
	[tilespmem:$0x1F400] =	vst v63  }
0x28: {  	_ =	swait.ge [sflag:s13], $0xC800  }
0x29: {  	[sflag:s13] =	ssyncset.done $0x0  }
0x2a: {  	s14 =	simm.s32 $0x12C0;
	[sflag:s13] =	ssyncadd.s32 $0xFFFF3800  }
0x2b: {  	[tilespmem:s8], [sflag:$0x2] =	stream.indirect.gather [hbm4b:s5+s6], $0x20, s14, s6, $0xb8;
	[tilespmem:$0x1F400] =	vst v63  }
0x2c: {  	_ =	swait.ge [sflag:s9], $0xC800  }
0x2d: {  	[sflag:s9] =	ssyncset.done $0x0  }
0x2e: {  	s15 =	rddreg [dreg:$0x5];
	[sflag:s9] =	ssyncadd.s32 $0xFFFF3800  }
0x2f: {  	[hbm4b:s15+s2] =	stream.linear.scatter [tilespmem:s7], [sflag:$0x3], $0xC800, $0x38;
	[tilespmem:$0x1F400] =	vst v63  }
0x30: {  	_ =	swait.ge [sflag:s10], $0xC800  }
0x31: {  	[sflag:s10] =	ssyncset.done $0x0  }
0x32: {  	s15 =	simm.s32 $0x1900;
	[sflag:s10] =	ssyncadd.s32 $0xFFFF3800  }
0x33: {  	[tilespmem:s7], [sflag:$0x1] =	stream.indirect.gather [hbm4b:s5+s6], $0x20, s15, s6, $0xb8;
	[tilespmem:$0x1F400] =	vst v63  }
0x34: {  	_ =	swait.ge [sflag:s12], $0xC800  }
0x35: {  	[sflag:s12] =	ssyncset.done $0x0  }
0x36: {  	s16 =	rddreg [dreg:$0x6];
	[sflag:s12] =	ssyncadd.s32 $0xFFFF3800  }
0x37: {  	[hbm4b:s16+s2] =	stream.linear.scatter [tilespmem:s8], [sflag:$0x4], $0xC800, $0x38;
	[tilespmem:$0x1F400] =	vst v63  }
0x38: {  	_ =	swait.ge [sflag:s13], $0xC800  }
0x39: {  	[sflag:s13] =	ssyncset.done $0x0  }
0x3a: {  	s16 =	simm.s32 $0x1F40;
	[sflag:s13] =	ssyncadd.s32 $0xFFFF3800  }
0x3b: {  	[tilespmem:s8], [sflag:$0x2] =	stream.indirect.gather [hbm4b:s5+s6], $0x20, s16, s6, $0xb8;
	[tilespmem:$0x1F400] =	vst v63  }
0x3c: {  	_ =	swait.ge [sflag:s9], $0xC800  }
0x3d: {  	[sflag:s9] =	ssyncset.done $0x0  }
0x3e: {  	s17 =	rddreg [dreg:$0x7];
	[sflag:s9] =	ssyncadd.s32 $0xFFFF3800  }
0x3f: {  	[hbm4b:s17+s2] =	stream.linear.scatter [tilespmem:s7], [sflag:$0x3], $0xC800, $0x38;
	[tilespmem:$0x1F400] =	vst v63  }
0x40: {  	_ =	swait.ge [sflag:s10], $0xC800  }
0x41: {  	[sflag:s10] =	ssyncset.done $0x0  }
0x42: {  	s17 =	simm.s32 $0x2580;
	[sflag:s10] =	ssyncadd.s32 $0xFFFF3800  }
0x43: {  	[tilespmem:s7], [sflag:$0x1] =	stream.indirect.gather [hbm4b:s5+s6], $0x20, s17, s6, $0xb8;
	[tilespmem:$0x1F400] =	vst v63  }
0x44: {  	_ =	swait.ge [sflag:s12], $0xC800  }
0x45: {  	[sflag:s12] =	ssyncset.done $0x0  }
0x46: {  	s18 =	rddreg [dreg:$0x8];
	[sflag:s12] =	ssyncadd.s32 $0xFFFF3800  }
0x47: {  	[hbm4b:s18+s2] =	stream.linear.scatter [tilespmem:s8], [sflag:$0x4], $0xC800, $0x38;
	[tilespmem:$0x1F400] =	vst v63  }
0x48: {  	_ =	swait.ge [sflag:s13], $0xC800  }
0x49: {  	[sflag:s13] =	ssyncset.done $0x0  }
0x4a: {  	s18 =	simm.s32 $0x2BC0;
	[sflag:s13] =	ssyncadd.s32 $0xFFFF3800  }
0x4b: {  	[tilespmem:s8], [sflag:$0x2] =	stream.indirect.gather [hbm4b:s5+s6], $0x20, s18, s6, $0xb8;
	[tilespmem:$0x1F400] =	vst v63  }
0x4c: {  	_ =	swait.ge [sflag:s9], $0xC800  }
0x4d: {  	[sflag:s9] =	ssyncset.done $0x0  }
0x4e: {  	s19 =	rddreg [dreg:$0x9];
	[sflag:s9] =	ssyncadd.s32 $0xFFFF3800  }
0x4f: {  	[hbm4b:s19+s2] =	stream.linear.scatter [tilespmem:s7], [sflag:$0x3], $0xC800, $0x38;
	[tilespmem:$0x1F400] =	vst v63  }
0x50: {  	_ =	swait.ge [sflag:s10], $0xC800  }
0x51: {  	[sflag:s10] =	ssyncset.done $0x0  }
0x52: {  	s19 =	simm.s32 $0x3200;
	[sflag:s10] =	ssyncadd.s32 $0xFFFF3800  }
0x53: {  	[tilespmem:s7], [sflag:$0x1] =	stream.indirect.gather [hbm4b:s5+s6], $0x20, s19, s6, $0xb8;
	[tilespmem:$0x1F400] =	vst v63  }
0x54: {  	_ =	swait.ge [sflag:s12], $0xC800  }
0x55: {  	[sflag:s12] =	ssyncset.done $0x0  }
0x56: {  	s20 =	rddreg [dreg:$0xa];
	[sflag:s12] =	ssyncadd.s32 $0xFFFF3800  }
0x57: {  	[hbm4b:s20+s2] =	stream.linear.scatter [tilespmem:s8], [sflag:$0x4], $0xC800, $0x38;
	[tilespmem:$0x1F400] =	vst v63  }
0x58: {  	_ =	swait.ge [sflag:s13], $0xC800  }
0x59: {  	[sflag:s13] =	ssyncset.done $0x0  }
0x5a: {  	s20 =	simm.s32 $0x3840;
	[sflag:s13] =	ssyncadd.s32 $0xFFFF3800  }
0x5b: {  	[tilespmem:s8], [sflag:$0x2] =	stream.indirect.gather [hbm4b:s5+s6], $0x20, s20, s6, $0xb8;
	[tilespmem:$0x1F400] =	vst v63  }
0x5c: {  	_ =	swait.ge [sflag:s9], $0xC800  }
0x5d: {  	[sflag:s9] =	ssyncset.done $0x0  }
0x5e: {  	s21 =	rddreg [dreg:$0xb];
	[sflag:s9] =	ssyncadd.s32 $0xFFFF3800  }
0x5f: {  	[hbm4b:s21+s2] =	stream.linear.scatter [tilespmem:s7], [sflag:$0x3], $0xC800, $0x38;
	[tilespmem:$0x1F400] =	vst v63  }
0x60: {  	_ =	swait.ge [sflag:s10], $0xC800  }
0x61: {  	[sflag:s10] =	ssyncset.done $0x0  }
0x62: {  	s21 =	simm.s32 $0x3E80;
	[sflag:s10] =	ssyncadd.s32 $0xFFFF3800  }
0x63: {  	[tilespmem:s7], [sflag:$0x1] =	stream.indirect.gather [hbm4b:s5+s6], $0x20, s21, s6, $0xb8;
	[tilespmem:$0x1F400] =	vst v63  }
0x64: {  	_ =	swait.ge [sflag:s12], $0xC800  }
0x65: {  	[sflag:s12] =	ssyncset.done $0x0  }
0x66: {  	s22 =	rddreg [dreg:$0xc];
	[sflag:s12] =	ssyncadd.s32 $0xFFFF3800  }
0x67: {  	[hbm4b:s22+s2] =	stream.linear.scatter [tilespmem:s8], [sflag:$0x4], $0xC800, $0x38;
	[tilespmem:$0x1F400] =	vst v63  }
0x68: {  	_ =	swait.ge [sflag:s13], $0xC800  }
0x69: {  	[sflag:s13] =	ssyncset.done $0x0  }
0x6a: {  	s22 =	simm.s32 $0x44C0;
	[sflag:s13] =	ssyncadd.s32 $0xFFFF3800  }
0x6b: {  	[tilespmem:s8], [sflag:$0x2] =	stream.indirect.gather [hbm4b:s5+s6], $0x20, s22, s6, $0xb8;
	[tilespmem:$0x1F400] =	vst v63  }
0x6c: {  	_ =	swait.ge [sflag:s9], $0xC800  }
0x6d: {  	[sflag:s9] =	ssyncset.done $0x0  }
0x6e: {  	s23 =	rddreg [dreg:$0xd];
	[sflag:s9] =	ssyncadd.s32 $0xFFFF3800  }
0x6f: {  	[hbm4b:s23+s2] =	stream.linear.scatter [tilespmem:s7], [sflag:$0x3], $0xC800, $0x38;
	[tilespmem:$0x1F400] =	vst v63  }
0x70: {  	_ =	swait.ge [sflag:s10], $0xC800  }
0x71: {  	[sflag:s10] =	ssyncset.done $0x0  }
0x72: {  	s23 =	simm.s32 $0x4B00;
	[sflag:s10] =	ssyncadd.s32 $0xFFFF3800  }
0x73: {  	[tilespmem:s7], [sflag:$0x1] =	stream.indirect.gather [hbm4b:s5+s6], $0x20, s23, s6, $0xb8;
	[tilespmem:$0x1F400] =	vst v63  }
0x74: {  	_ =	swait.ge [sflag:s12], $0xC800  }
0x75: {  	[sflag:s12] =	ssyncset.done $0x0  }
0x76: {  	s24 =	rddreg [dreg:$0xe];
	[sflag:s12] =	ssyncadd.s32 $0xFFFF3800  }
0x77: {  	[hbm4b:s24+s2] =	stream.linear.scatter [tilespmem:s8], [sflag:$0x4], $0xC800, $0x38;
	[tilespmem:$0x1F400] =	vst v63  }
0x78: {  	_ =	swait.ge [sflag:s13], $0xC800  }
0x79: {  	[sflag:s13] =	ssyncset.done $0x0  }
0x7a: {  	s24 =	simm.s32 $0x5140;
	[sflag:s13] =	ssyncadd.s32 $0xFFFF3800  }
0x7b: {  	[tilespmem:s8], [sflag:$0x2] =	stream.indirect.gather [hbm4b:s5+s6], $0x20, s24, s6, $0xb8;
	[tilespmem:$0x1F400] =	vst v63  }
0x7c: {  	_ =	swait.ge [sflag:s9], $0xC800  }
0x7d: {  	[sflag:s9] =	ssyncset.done $0x0  }
0x7e: {  	s25 =	sadd.s32 $0x12C00, s3;
	[sflag:s9] =	ssyncadd.s32 $0xFFFF3800  }
0x7f: {  	[hbm4b:s25+s2] =	stream.linear.scatter [tilespmem:s7], [sflag:$0x3], $0xC800, $0x38;
	[tilespmem:$0x1F400] =	vst v63  }
0x80: {  	_ =	swait.ge [sflag:s10], $0xC800  }
0x81: {  	[sflag:s10] =	ssyncset.done $0x0  }
0x82: {  	s26 =	simm.s32 $0x5780;
	[sflag:s10] =	ssyncadd.s32 $0xFFFF3800  }
0x83: {  	[tilespmem:s7], [sflag:$0x1] =	stream.indirect.gather [hbm4b:s5+s6], $0x20, s26, s6, $0xb8;
	[tilespmem:$0x1F400] =	vst v63  }
0x84: {  	_ =	swait.ge [sflag:s12], $0xC800  }
0x85: {  	[sflag:s12] =	ssyncset.done $0x0  }
0x86: {  	s28 =	sadd.s32 $0x14500, s3;
	[sflag:s12] =	ssyncadd.s32 $0xFFFF3800  }
0x87: {  	[hbm4b:s28+s2] =	stream.linear.scatter [tilespmem:s8], [sflag:$0x4], $0xC800, $0x38;
	[tilespmem:$0x1F400] =	vst v63  }
0x88: {  	_ =	swait.ge [sflag:s13], $0xC800  }
0x89: {  	[sflag:s13] =	ssyncset.done $0x0  }
0x8a: {  	s29 =	simm.s32 $0x5DC0;
	[sflag:s13] =	ssyncadd.s32 $0xFFFF3800  }
0x8b: {  	[tilespmem:s8], [sflag:$0x2] =	stream.indirect.gather [hbm4b:s5+s6], $0x20, s29, s6, $0xb8;
	[tilespmem:$0x1F400] =	vst v63  }
0x8c: {  	_ =	swait.ge [sflag:s9], $0xC800  }
0x8d: {  	s1 =	ssub.s32 $0x2, s1;
	[sflag:s9] =	ssyncset.done $0x0  }
0x8e: {  	s0 =	sshrl.u32 s1, $0x1;
	s30 =	sadd.s32 $0x15E00, s3;
	[sflag:s9] =	ssyncadd.s32 $0xFFFF3800  }
0x8f: {  	[hbm4b:s30+s2] =	stream.linear.scatter [tilespmem:s7], [sflag:$0x3], $0xC800, $0x38;
	[tilespmem:$0x1F400] =	vst v63  }
0x90: {  	s0 =	ssub.s32 s1, s0;
	_ =	swait.ge [sflag:s12], $0xC800  }
0x91: {  	s0 =	smax.u32 s0, $0x1;
	[sflag:s12] =	ssyncset.done $0x0  }
0x92: {  	s31 =	sadd.s32 $0x17700, s3;
	p0 =	sne.s32 s0, $0x1;
	[sflag:s12] =	ssyncadd.s32 $0xFFFF3800  }
0x93: {  	[hbm4b:s31+s2] =	stream.linear.scatter [tilespmem:s8], [sflag:$0x4], $0xC800, $0x38;
	[tilespmem:$0x1F400] =	vst v63  }
.Ltmp0:
0x94: {  	_ =	swait.ge [sflag:s10], $0xC800;
	(pc) =	sbr.rel @!p0 .LBB2_2-.Ltmp0, $4  }
0x95: {  	[sflag:s10] =	ssyncset.done $0x0  }
0x96: {  	[sflag:s10] =	ssyncadd.s32 $0xFFFF3800  }
0x97: {  	_ =	swait.ge [sflag:s13], $0xC800  }
0x98: {  	s1 =	sadd.s32 $0xFFFFFFFF, s0;
	[sflag:s13] =	ssyncset.done $0x0  }
.LBB2_1:
0x99: {  	s0 =	rddreg [dreg:$0x3];
	[sflag:s13] =	ssyncadd.s32 $0xFFFF3800  }
0x9a: {  	[tilespmem:s2], [sflag:$0x5] =	stream.linear.gather [hbm4b:s0+s2], $0x6400, $0x38;
	[tilespmem:$0x1F400] =	vst v63  }
0x9b: {  	_ =	swait.ge [sflag:s4], $0x6400  }
0x9c: {  	[sflag:s4] =	ssyncset.done $0x0  }
0x9d: {  	[sflag:s4] =	ssyncadd.s32 $0xFFFF9C00  }
0x9e: {  	[tilespmem:s7], [sflag:$0x1] =	stream.indirect.gather [hbm4b:s5+s6], $0x20, s2, s6, $0xb8;
	[tilespmem:$0x1F400] =	vst v63  }
0x9f: {  	_ = 	snop  }
0xa0: {  	[tilespmem:s8], [sflag:$0x2] =	stream.indirect.gather [hbm4b:s5+s6], $0x20, s6, s6, $0xb8;
	[tilespmem:$0x1F400] =	vst v63  }
0xa1: {  	_ =	swait.ge [sflag:s9], $0xC800  }
0xa2: {  	[sflag:s9] =	ssyncset.done $0x0  }
0xa3: {  	[sflag:s9] =	ssyncadd.s32 $0xFFFF3800  }
0xa4: {  	[hbm4b:s3+s2] =	stream.linear.scatter [tilespmem:s7], [sflag:$0x3], $0xC800, $0x38;
	[tilespmem:$0x1F400] =	vst v63  }
0xa5: {  	_ =	swait.ge [sflag:s10], $0xC800  }
0xa6: {  	[sflag:s10] =	ssyncset.done $0x0  }
0xa7: {  	[sflag:s10] =	ssyncadd.s32 $0xFFFF3800  }
0xa8: {  	[tilespmem:s7], [sflag:$0x1] =	stream.indirect.gather [hbm4b:s5+s6], $0x20, s11, s6, $0xb8;
	[tilespmem:$0x1F400] =	vst v63  }
0xa9: {  	_ =	swait.ge [sflag:s12], $0xC800  }
0xaa: {  	[sflag:s12] =	ssyncset.done $0x0  }
0xab: {  	s0 =	rddreg [dreg:$0x4];
	[sflag:s12] =	ssyncadd.s32 $0xFFFF3800  }
0xac: {  	[hbm4b:s0+s2] =	stream.linear.scatter [tilespmem:s8], [sflag:$0x4], $0xC800, $0x38;
	[tilespmem:$0x1F400] =	vst v63  }
0xad: {  	_ =	swait.ge [sflag:s13], $0xC800  }
0xae: {  	[sflag:s13] =	ssyncset.done $0x0  }
0xaf: {  	[sflag:s13] =	ssyncadd.s32 $0xFFFF3800  }
0xb0: {  	[tilespmem:s8], [sflag:$0x2] =	stream.indirect.gather [hbm4b:s5+s6], $0x20, s14, s6, $0xb8;
	[tilespmem:$0x1F400] =	vst v63  }
0xb1: {  	_ =	swait.ge [sflag:s9], $0xC800  }
0xb2: {  	[sflag:s9] =	ssyncset.done $0x0  }
0xb3: {  	s0 =	rddreg [dreg:$0x5];
	[sflag:s9] =	ssyncadd.s32 $0xFFFF3800  }
0xb4: {  	[hbm4b:s0+s2] =	stream.linear.scatter [tilespmem:s7], [sflag:$0x3], $0xC800, $0x38;
	[tilespmem:$0x1F400] =	vst v63  }
0xb5: {  	_ =	swait.ge [sflag:s10], $0xC800  }
0xb6: {  	[sflag:s10] =	ssyncset.done $0x0  }
0xb7: {  	[sflag:s10] =	ssyncadd.s32 $0xFFFF3800  }
0xb8: {  	[tilespmem:s7], [sflag:$0x1] =	stream.indirect.gather [hbm4b:s5+s6], $0x20, s15, s6, $0xb8;
	[tilespmem:$0x1F400] =	vst v63  }
0xb9: {  	_ =	swait.ge [sflag:s12], $0xC800  }
0xba: {  	[sflag:s12] =	ssyncset.done $0x0  }
0xbb: {  	s0 =	rddreg [dreg:$0x6];
	[sflag:s12] =	ssyncadd.s32 $0xFFFF3800  }
0xbc: {  	[hbm4b:s0+s2] =	stream.linear.scatter [tilespmem:s8], [sflag:$0x4], $0xC800, $0x38;
	[tilespmem:$0x1F400] =	vst v63  }
0xbd: {  	_ =	swait.ge [sflag:s13], $0xC800  }
0xbe: {  	[sflag:s13] =	ssyncset.done $0x0  }
0xbf: {  	[sflag:s13] =	ssyncadd.s32 $0xFFFF3800  }
0xc0: {  	[tilespmem:s8], [sflag:$0x2] =	stream.indirect.gather [hbm4b:s5+s6], $0x20, s16, s6, $0xb8;
	[tilespmem:$0x1F400] =	vst v63  }
0xc1: {  	_ =	swait.ge [sflag:s9], $0xC800  }
0xc2: {  	[sflag:s9] =	ssyncset.done $0x0  }
0xc3: {  	s0 =	rddreg [dreg:$0x7];
	[sflag:s9] =	ssyncadd.s32 $0xFFFF3800  }
0xc4: {  	[hbm4b:s0+s2] =	stream.linear.scatter [tilespmem:s7], [sflag:$0x3], $0xC800, $0x38;
	[tilespmem:$0x1F400] =	vst v63  }
0xc5: {  	_ =	swait.ge [sflag:s10], $0xC800  }
0xc6: {  	[sflag:s10] =	ssyncset.done $0x0  }
0xc7: {  	[sflag:s10] =	ssyncadd.s32 $0xFFFF3800  }
0xc8: {  	[tilespmem:s7], [sflag:$0x1] =	stream.indirect.gather [hbm4b:s5+s6], $0x20, s17, s6, $0xb8;
	[tilespmem:$0x1F400] =	vst v63  }
0xc9: {  	_ =	swait.ge [sflag:s12], $0xC800  }
0xca: {  	[sflag:s12] =	ssyncset.done $0x0  }
0xcb: {  	s0 =	rddreg [dreg:$0x8];
	[sflag:s12] =	ssyncadd.s32 $0xFFFF3800  }
0xcc: {  	[hbm4b:s0+s2] =	stream.linear.scatter [tilespmem:s8], [sflag:$0x4], $0xC800, $0x38;
	[tilespmem:$0x1F400] =	vst v63  }
0xcd: {  	_ =	swait.ge [sflag:s13], $0xC800  }
0xce: {  	[sflag:s13] =	ssyncset.done $0x0  }
0xcf: {  	[sflag:s13] =	ssyncadd.s32 $0xFFFF3800  }
0xd0: {  	[tilespmem:s8], [sflag:$0x2] =	stream.indirect.gather [hbm4b:s5+s6], $0x20, s18, s6, $0xb8;
	[tilespmem:$0x1F400] =	vst v63  }
0xd1: {  	_ =	swait.ge [sflag:s9], $0xC800  }
0xd2: {  	[sflag:s9] =	ssyncset.done $0x0  }
0xd3: {  	s0 =	rddreg [dreg:$0x9];
	[sflag:s9] =	ssyncadd.s32 $0xFFFF3800  }
0xd4: {  	[hbm4b:s0+s2] =	stream.linear.scatter [tilespmem:s7], [sflag:$0x3], $0xC800, $0x38;
	[tilespmem:$0x1F400] =	vst v63  }
0xd5: {  	_ =	swait.ge [sflag:s10], $0xC800  }
0xd6: {  	[sflag:s10] =	ssyncset.done $0x0  }
0xd7: {  	[sflag:s10] =	ssyncadd.s32 $0xFFFF3800  }
0xd8: {  	[tilespmem:s7], [sflag:$0x1] =	stream.indirect.gather [hbm4b:s5+s6], $0x20, s19, s6, $0xb8;
	[tilespmem:$0x1F400] =	vst v63  }
0xd9: {  	_ =	swait.ge [sflag:s12], $0xC800  }
0xda: {  	[sflag:s12] =	ssyncset.done $0x0  }
0xdb: {  	s0 =	rddreg [dreg:$0xa];
	[sflag:s12] =	ssyncadd.s32 $0xFFFF3800  }
0xdc: {  	[hbm4b:s0+s2] =	stream.linear.scatter [tilespmem:s8], [sflag:$0x4], $0xC800, $0x38;
	[tilespmem:$0x1F400] =	vst v63  }
0xdd: {  	_ =	swait.ge [sflag:s13], $0xC800  }
0xde: {  	[sflag:s13] =	ssyncset.done $0x0  }
0xdf: {  	[sflag:s13] =	ssyncadd.s32 $0xFFFF3800  }
0xe0: {  	[tilespmem:s8], [sflag:$0x2] =	stream.indirect.gather [hbm4b:s5+s6], $0x20, s20, s6, $0xb8;
	[tilespmem:$0x1F400] =	vst v63  }
0xe1: {  	_ =	swait.ge [sflag:s9], $0xC800  }
0xe2: {  	[sflag:s9] =	ssyncset.done $0x0  }
0xe3: {  	s0 =	rddreg [dreg:$0xb];
	[sflag:s9] =	ssyncadd.s32 $0xFFFF3800  }
0xe4: {  	[hbm4b:s0+s2] =	stream.linear.scatter [tilespmem:s7], [sflag:$0x3], $0xC800, $0x38;
	[tilespmem:$0x1F400] =	vst v63  }
0xe5: {  	_ =	swait.ge [sflag:s10], $0xC800  }
0xe6: {  	[sflag:s10] =	ssyncset.done $0x0  }
0xe7: {  	[sflag:s10] =	ssyncadd.s32 $0xFFFF3800  }
0xe8: {  	[tilespmem:s7], [sflag:$0x1] =	stream.indirect.gather [hbm4b:s5+s6], $0x20, s21, s6, $0xb8;
	[tilespmem:$0x1F400] =	vst v63  }
0xe9: {  	_ =	swait.ge [sflag:s12], $0xC800  }
0xea: {  	[sflag:s12] =	ssyncset.done $0x0  }
0xeb: {  	s0 =	rddreg [dreg:$0xc];
	[sflag:s12] =	ssyncadd.s32 $0xFFFF3800  }
0xec: {  	[hbm4b:s0+s2] =	stream.linear.scatter [tilespmem:s8], [sflag:$0x4], $0xC800, $0x38;
	[tilespmem:$0x1F400] =	vst v63  }
0xed: {  	_ =	swait.ge [sflag:s13], $0xC800  }
0xee: {  	[sflag:s13] =	ssyncset.done $0x0  }
0xef: {  	[sflag:s13] =	ssyncadd.s32 $0xFFFF3800  }
0xf0: {  	[tilespmem:s8], [sflag:$0x2] =	stream.indirect.gather [hbm4b:s5+s6], $0x20, s22, s6, $0xb8;
	[tilespmem:$0x1F400] =	vst v63  }
0xf1: {  	_ =	swait.ge [sflag:s9], $0xC800  }
0xf2: {  	[sflag:s9] =	ssyncset.done $0x0  }
0xf3: {  	s0 =	rddreg [dreg:$0xd];
	[sflag:s9] =	ssyncadd.s32 $0xFFFF3800  }
0xf4: {  	[hbm4b:s0+s2] =	stream.linear.scatter [tilespmem:s7], [sflag:$0x3], $0xC800, $0x38;
	[tilespmem:$0x1F400] =	vst v63  }
0xf5: {  	_ =	swait.ge [sflag:s10], $0xC800  }
0xf6: {  	[sflag:s10] =	ssyncset.done $0x0  }
0xf7: {  	[sflag:s10] =	ssyncadd.s32 $0xFFFF3800  }
0xf8: {  	[tilespmem:s7], [sflag:$0x1] =	stream.indirect.gather [hbm4b:s5+s6], $0x20, s23, s6, $0xb8;
	[tilespmem:$0x1F400] =	vst v63  }
0xf9: {  	_ =	swait.ge [sflag:s12], $0xC800  }
0xfa: {  	[sflag:s12] =	ssyncset.done $0x0  }
0xfb: {  	s0 =	rddreg [dreg:$0xe];
	[sflag:s12] =	ssyncadd.s32 $0xFFFF3800  }
0xfc: {  	[hbm4b:s0+s2] =	stream.linear.scatter [tilespmem:s8], [sflag:$0x4], $0xC800, $0x38;
	[tilespmem:$0x1F400] =	vst v63  }
0xfd: {  	_ =	swait.ge [sflag:s13], $0xC800  }
0xfe: {  	[sflag:s13] =	ssyncset.done $0x0  }
0xff: {  	[sflag:s13] =	ssyncadd.s32 $0xFFFF3800  }
0x100: {  	[tilespmem:s8], [sflag:$0x2] =	stream.indirect.gather [hbm4b:s5+s6], $0x20, s24, s6, $0xb8;
	[tilespmem:$0x1F400] =	vst v63  }
0x101: {  	_ =	swait.ge [sflag:s9], $0xC800  }
0x102: {  	[sflag:s9] =	ssyncset.done $0x0  }
0x103: {  	[sflag:s9] =	ssyncadd.s32 $0xFFFF3800  }
0x104: {  	[hbm4b:s25+s2] =	stream.linear.scatter [tilespmem:s7], [sflag:$0x3], $0xC800, $0x38;
	[tilespmem:$0x1F400] =	vst v63  }
0x105: {  	_ =	swait.ge [sflag:s10], $0xC800  }
0x106: {  	[sflag:s10] =	ssyncset.done $0x0  }
0x107: {  	[sflag:s10] =	ssyncadd.s32 $0xFFFF3800  }
0x108: {  	[tilespmem:s7], [sflag:$0x1] =	stream.indirect.gather [hbm4b:s5+s6], $0x20, s26, s6, $0xb8;
	[tilespmem:$0x1F400] =	vst v63  }
0x109: {  	_ =	swait.ge [sflag:s12], $0xC800  }
0x10a: {  	[sflag:s12] =	ssyncset.done $0x0  }
0x10b: {  	[sflag:s12] =	ssyncadd.s32 $0xFFFF3800  }
0x10c: {  	[hbm4b:s28+s2] =	stream.linear.scatter [tilespmem:s8], [sflag:$0x4], $0xC800, $0x38;
	[tilespmem:$0x1F400] =	vst v63  }
0x10d: {  	_ =	swait.ge [sflag:s13], $0xC800  }
0x10e: {  	[sflag:s13] =	ssyncset.done $0x0  }
0x10f: {  	[sflag:s13] =	ssyncadd.s32 $0xFFFF3800  }
0x110: {  	[tilespmem:s8], [sflag:$0x2] =	stream.indirect.gather [hbm4b:s5+s6], $0x20, s29, s6, $0xb8;
	[tilespmem:$0x1F400] =	vst v63  }
0x111: {  	_ =	swait.ge [sflag:s9], $0xC800  }
0x112: {  	[sflag:s9] =	ssyncset.done $0x0  }
0x113: {  	[sflag:s9] =	ssyncadd.s32 $0xFFFF3800  }
0x114: {  	[hbm4b:s30+s2] =	stream.linear.scatter [tilespmem:s7], [sflag:$0x3], $0xC800, $0x38;
	[tilespmem:$0x1F400] =	vst v63  }
0x115: {  	_ =	swait.ge [sflag:s12], $0xC800  }
0x116: {  	[sflag:s12] =	ssyncset.done $0x0  }
0x117: {  	p0 =	sne.s32 s1, $0x1;
	[sflag:s12] =	ssyncadd.s32 $0xFFFF3800  }
0x118: {  	[hbm4b:s31+s2] =	stream.linear.scatter [tilespmem:s8], [sflag:$0x4], $0xC800, $0x38;
	[tilespmem:$0x1F400] =	vst v63  }
.Ltmp1:
0x119: {  	_ =	swait.ge [sflag:s10], $0xC800;
	(pc) =	sbr.rel @p0 .LBB2_1-.Ltmp1, $4  }
0x11a: {  	[sflag:s10] =	ssyncset.done $0x0  }
0x11b: {  	[sflag:s10] =	ssyncadd.s32 $0xFFFF3800  }
0x11c: {  	_ =	swait.ge [sflag:s13], $0xC800  }
0x11d: {  	s1 =	sadd.s32 $0xFFFFFFFF, s1;
	[sflag:s13] =	ssyncset.done $0x0  }
.LBB2_2:
0x11e: {  	[sflag:s13] =	ssyncadd.s32 $0xFFFF3800  }
0x11f: {  	_ =	sfence.sel $0x180000  }
0x120: {  	[bflag:$0x0] =	sbarrier.arrive $0xFFFF  }
0x121: {  	_ =	strace $0x90000047  }
0x122: {  	s0 =	stileid.u32;
	[bflag:$0x2] =	sbarrier.arrive $0xFFFF  }
0x123: {  	p0 =	sne.s32 s0, $0x0;
	s0 =	rddreg [dreg:$0x2]  }
0x124: {  	s0 =	sadd.s32 @!p0 $0x100000, s0  }
0x125: {  	[sflag:s0] =	ssyncadd.tile.s32 @!p0 $0x1;
	_ =	shalt  }
.Lfunc_end2:
_tile_overlayer_lowered:
.L_overlay_start_2:
0x126: {  	(tag) =	ssettag $0x2  }
0x127: {  	s0 =	rddreg [dreg:$0x0];
	s2 =	stileid.u32  }
0x128: {  	s1 =	rddreg [dreg:$0x1];
	p0 =	sne.s32 s2, $0x0  }
0x129: {  	s3 =	rddreg [dreg:$0x2];
	[bflag:$0x3] =	sbarrier.arrive $0xFFFF;
	s2 =	simm.s32 @!p0 $0x1C05  }
0x12a: {  	[timem:s3], [sflag:s2] =	dma.local @!p0 [hbm:s0], s1  }
0x12b: {  	s0 =	simm.s32 @!p0 $0x5  }
0x12c: {  	_ =	swait.ge @!p0 [sflag:s0], s1  }
0x12d: {  	s1 =	ssub.s32 @!p0 $0x0, s1;
	[sflag:s0] =	ssyncset.done @!p0 $0x0  }
0x12e: {  	[sflag:s0] =	ssyncadd.s32 @!p0 s1  }
0x12f: {  	[bflag:$0x3] =	sbarrier.arrive $0xFFFF  }
0x130: {  	_ =	shalt  }

// kernel: sparse-core-data-format-call.1.cloned.1.call-start
scs
called_computation.1_lowered:
.L_overlay_start_0:
0x0: {  	s2 =	sld [smem:$0x3FD9]  }
0x1: {  	s3 =	sld [smem:$0x3FFE];
	_ =	sdelay $0x1  }
0x2: {  	s1 =	srdreg.scid  }
0x3: {  	s0 =	sand.u32 $0x1, s1  }
0x4: {  	s18 =	sshll.u32 s0, $0xA;
	s2 =	sadd.s32 s3, s2  }
0x5: {  	s2 =	sadd.s32 s2, s18  }
0x6: {  	[smem:$0x3FC6] =	sst s2  }
0x7: {  	_ = 	snop  }
0x8: {  	s2 =	sld [smem:$0x3FD0];
	(tm) =	ssettm $0x1  }
0x9: {  	s19 =	sld [smem:$0x3FFB];
	_ =	sdelay $0x3  }
0xa: {  	_ =	strace s19  }
0xb: {  	s3 =	sld [smem:$0x3FFC];
	_ =	sdelay $0x3  }
0xc: {  	_ =	strace s3  }
0xd: {  	s3 =	sld [smem:$0x3FFD];
	_ =	sdelay $0x3  }
0xe: {  	_ =	strace s3  }
0xf: {  	_ =	strace $0x8FFFFFFF  }
0x10: {  	s20 =	sld [smem:$0x3FDB];
	_ =	sdelay $0x1  }
0x11: {  	s4 =	simm.s32 $_scs_section_size  }
0x12: {  	s5 =	simm.s32 $_size__tile_overlayer_lowered;
	s6 =	simm.s32 $_tile_overlayer_lowered  }
0x13: {  	s23 =	simm.s32 $0x1BFF;
	s22 =	sshll.u32 s6, $0x1;
	s3 =	sadd.s32 s4, s20  }
0x14: {  	s7 =	simm.s32 $0x0;
	s21 =	sshll.u32 s5, $0x1;
	s5 =	sadd.s32 s22, s3  }
0x15: {  	[timem:s7], [sflag:s23] =	dma.local [hbm:s5], s21  }
0x16: {  	_ =	swait.ge [sflag:s23], s21  }
0x17: {  	s4 =	ssub.s32 $0x0, s21;
	[sflag:s23] =	ssyncset.done $0x0  }
0x18: {  	[sflag:s23] =	ssyncadd.s32 s4;
	_ =	sdelay $0x1  }
0x19: {  	s24 =	simm.s32 $0x1B8B  }
0x1a: {  	_ =	swait.ge [sflag:s24], $0x1  }
0x1b: {  	[sflag:s24] =	ssyncset.done $0x0  }
0x1c: {  	s26 =	simm.s32 $0x1B8E;
	s25 =	sld [smem:$0x3FFE];
	[sflag:s24] =	ssyncadd.s32 $0xFFFFFFFF  }
0x1d: {  	s27 =	simm.s32 $execute0_lowered;
	[smem:$0x3FD2] =	sst s26  }
0x1e: {  	s5 =	sshll.u32 s27, $0x1;
	_ =	strace $0x80000049;
	[dreg:$0x1] =	wrdreg $0xFFFFFFFF  }
0x1f: {  	s28 =	simm.s32 $_size_execute0_lowered;
	s3 =	sadd.s32 s3, s5;
	[dreg:$0x0] =	wrdreg $0x0  }
0x20: {  	s5 =	sshll.u32 s28, $0x1;
	[dreg:$0x2] =	wrdreg s3  }
0x21: {  	[dreg:$0x3] =	wrdreg s5  }
0x22: {  	[dreg:$0x4] =	wrdreg $0xC0  }
0x23: {  	_ =	task [dreg:s7], $0x5FFFF  }
0x24: {  	[dreg:$0x1] =	wrdreg $0xFFFFFFFF  }
0x25: {  	[dreg:$0x0] =	wrdreg $0x60  }
0x26: {  	[dreg:$0x2] =	wrdreg s25  }
0x27: {  	[dreg:$0x3] =	wrdreg s2  }
0x28: {  	[dreg:$0x4] =	wrdreg $0x9  }
0x29: {  	_ =	task.clear_ibuf [dreg:s7], $0x5FFFF;
	_ =	strace $0x90000049  }
0x2a: {  	s29 =	simm.s32 $0x9;
	_ =	strace $0x8000004B  }
0x2b: {  	_ =	swait.ge [sflag:s29], $0x1  }
0x2c: {  	[sflag:s29] =	ssyncadd.s32 $0xFFFFFFFF  }
0x2d: {  	_ =	strace $0x9000004B  }
0x2e: {  	_ =	sfence  }
0x2f: {  	s30 =	sld [smem:$0x0];
	_ =	sdelay $0x2  }
0x30: {  	s31 =	sshll.u32 s1, $0xD;
	s1 =	sshrl.u32 s1, $0x2  }
0x31: {  	s3 =	sand.u32 $0x4000, s31;
	s1 =	sadd.s32 s1, s30  }
0x32: {  	s0 =	sor.u32 s3, s0;
	s1 =	sshll.u32 s1, $0x11  }
0x33: {  	s0 =	sor.u32 s1, s0  }
0x34: {  	s0 =	sadd.s32 $0x8F2B, s0  }
0x35: {  	[sflag:s0] =	ssyncadd.remote.s32 $0x1  }
0x36: {  	_ =	sfence.sel $0xFFFF  }
0x37: {  	[dreg:$0x0] =	wrdreg $0xFFFFFFFF;
	(pc) =	sbr.abs _section_cstart, $3  }
0x38: {  	[dreg:$0x1] =	wrdreg $0xFFFFFFFF  }
0x39: {  	_ =	task.clear_ibuf [dreg:s7], $0x2FFFF;
	_ =	strace $0x9FFFFFFF  }
0x3a: {  	(tm) =	ssettm $0x7FFFFFFF  }
0x3b: {  	_ =	shalt  }
tec
execute0_lowered:
.L_overlay_start_1:
0x0: {  	(tag) =	ssettag $0x1  }
0x1: {  	s0 =	srdreg.scid  }
0x2: {  	s1 =	sshll.u32 s0, $0x4  }
0x3: {  	s4 =	rddreg [dreg:$0x0];
	s0 =	stileid.u32;
	s1 =	sand.u32 $0x10, s1  }
0x4: {  	s2 =	rddreg [dreg:$0x1];
	s7 =	simm.s32 $0x1;
	s1 =	sor.u32 s0, s1  }
0x5: {  	s8 =	simm.s32 $0x2;
	s11 =	simm.s32 $0x0;
	s3 =	sshll.u32 s1, $0x7  }
0x6: {  	s10 =	simm.s32 $0x0;
	s4 =	sadd.s32 $0xC00, s4;
	s6 =	ssub.s32 $0xC8000, s3  }
.Ltmp0:
0x7: {  	s1 =	rddreg [dreg:$0x2];
	s5 =	sand.u32 $0xF80, s6;
	(pc) =	sbr.rel .LBB1_1-.Ltmp0, $4  }
0x8: {  	_ =	strace $0x8000004A;
	s9 =	smov.u32 s3;
	p0 =	sne.s32 s5, $0x0  }
0x9: {  	s6 =	sshrl.u32 s6, $0xC;
	s5 =	simm.s32 $0x1;
	s7 =	simm.s32 @!p0 $0x0  }
0xa: {  	[sflag:s5] =	ssyncpa.u1 $0x0;
	p0 =	por $0x0, $0x0;
	s6 =	sadd.s32 s7, s6  }
0xb: {  	[sflag:s8] =	ssyncpa.u1 $0x0;
	s8 =	simm.s32 $0x640000;
	s7 =	sadd.s32 $0x1, s6  }
.LBB1_4:
0xc: {  	s14 =	sshll.u32 s11, $0x3  }
0xd: {  	s30 =	sand.u32 $0x7F, s11;
	s15 =	sand.u32 $0xFFFFFC00, s14  }
0xe: {  	s11 =	sor.u32 s30, s15  }
0xf: {  	s15 =	smulhi.u32 $0x51EB851F, s11  }
0x10: {  	s14 =	smulhi.u32 $0x51EB851F, s14  }
0x11: {  	s15 =	sshrl.u32 s15, $0x12  }
0x12: {  	s14 =	sshrl.u32 s14, $0x12;
	s15 =	smul.u32 $0xC8000, s15  }
0x13: {  	s14 =	sand.u32 $0x1F, s14  }
0x14: {  	s14 =	smul.u32 $0x19000, s14;
	s11 =	ssub.s32 s11, s15  }
0x15: {  	s15 =	sand.u32 $0x7, s11  }
0x16: {  	s14 =	sadd.s32 s2, s14;
	s11 =	sshrl.u32 s11, $0x3;
	s15 =	sshll.u32 s15, $0x12  }
0x17: {  	[tilespmem:s13+$0x0 ss:$0x81] =	vst.msk $0xffff, v0;
	s11 =	sadd.s32 s11, s14;
	s31 =	sor.u32 $0x400, s15  }
0x18: {  	[hbm4b:s11+s31] =	stream.strided.scatter [tilespmem:s12], [sflag:$0x2], $0x1000, s8, s31, $0x20;
	[tilespmem:$0x4040] =	vst v63  }
.LBB1_5:
0x19: {  	s13 =	sadd.s32 $0x1000, s9  }
0x1a: {  	p2 =	sgt.s32 s13, $0xC7FFF  }
0x1b: {  	s13 =	smov.u32 @p2 s3;
	p2 =	sne.s32 s10, s7  }
.Ltmp1:
0x1c: {  	p1 =	slt.u32 s10, $0x2;
	(pc) =	sbr.rel @!p2 .LBB1_6-.Ltmp1, $4  }
0x1d: {  	s12 =	simm.s32 @!p1 $0x2  }
0x1e: {  	s14 =	sadd.s32 $0x1, s10;
	_ =	swait.ge @!p1 [sflag:s12], $0x1000  }
0x1f: {  	s11 =	smov.u32 s9;
	p0 =	por !p0, !p0;
	[sflag:s12] =	ssyncset.done @!p1 $0x0  }
0x20: {  	s10 =	smov.u32 s14;
	s9 =	smov.u32 s13;
	[sflag:s12] =	ssyncadd.s32 @!p1 $0xFFFFF000  }
.LBB1_1:
0x21: {  	p1 =	sge.u32 s10, s6  }
0x22: {  	s12 =	sand.u32 @!p1 $0x1FFFFFF, s9  }
0x23: {  	s13 =	smulhi.u32 @!p1 $0x147AE15, s12;
	_ =	sdelay $0x1  }
0x24: {  	s13 =	sshrl.u32 @!p1 s13, $0xC  }
0x25: {  	s13 =	smul.u32 @!p1 $0xC8000, s13;
	_ =	sdelay $0x1  }
0x26: {  	s31 =	sadd.s32 $0xFFFFFFFF, s10;
	s14 =	sxor.u32 @!p1 $0xFFFFFFFF, s10;
	s12 =	ssub.s32 @!p1 s12, s13  }
0x27: {  	s15 =	simm.s32 @!p1 $0x80;
	s14 =	sshll.u32 @!p1 s14, $0xC;
	s12 =	sshll.u32 @!p1 s12, $0x4  }
0x28: {  	s13 =	sand.u32 @!p1 $0x1000, s14;
	s14 =	simm.s32 @!p1 $0x20;
	s12 =	sadd.s32 @!p1 s4, s12  }
0x29: {  	[tilespmem:s13], [sflag:$0x1] =	stream.strided.gather @!p1 [hbm4b:s12+s14], $0x1000, s15, s14, $0x38;
	[tilespmem:$0x4040] =	vst v63  }
0x2a: {  	p1 =	sge.u32 s31, s6  }
.Ltmp2:
0x2b: {  	_ = 	snop;
	(pc) =	sbr.rel @p1 .LBB1_5-.Ltmp2, $1  }
0x2c: {  	_ =	sdelay $0x3  }
0x2d: {  	s12 =	simm.s32 $0x1  }
0x2e: {  	_ =	swait.ge [sflag:s5], $0x1000;
	s12 =	simm.s32 @!p0 $0x0  }
0x2f: {  	[sflag:s5] =	ssyncset.done $0x0;
	s13 =	sshll.u32 s12, $0xC  }
0x30: {  	[sflag:s5] =	ssyncadd.s32 $0xFFFFF000;
	s16 =	sor.u32 $0x10, s13  }
0x31: {  	s12 =	smul.u32 $0x4080, s12;
	v1 =	vld [tilespmem:s16+$0x0]  }
0x32: {  	s30 =	sand.u32 $0x1, s10;
	v0 =	vld [tilespmem:s16+$0xFFFFFFF0]  }
0x33: {  	s13 =	smul.u32 $0x4080, s30;
	s12 =	sshrl.u32 s12, $0x2  }
0x34: {  	s14 =	sor.u32 $0x2000, s12  }
0x35: {  	s31 =	sshrl.u32 s13, $0x2;
	s13 =	sadd.s32 $0x0, s14  }
0x36: {  	s15 =	simm.s32 $0x4;
	s16 =	sadd.s32 $0x20, s16;
	s12 =	sor.u32 $0x2000, s31;
	[tilespmem:s13+$0x810 ss:$0x81] =	vst.msk $0xffff, v1  }
.LBB1_3:
0x37: {  	v1 =	vld [tilespmem:s16+$0x0];
	p1 =	sne.s32 s15, $0x1FC;
	[tilespmem:s13+$0x0 ss:$0x81] =	vst.msk $0xffff, v0;
	s13 =	smov.u32 s15;
	s15 =	sadd.s32 $0x4, s15  }
.Ltmp3:
0x38: {  	v0 =	vld [tilespmem:s16+$0xFFFFFFF0];
	(pc) =	sbr.rel @p1 .LBB1_3-.Ltmp3, $4  }
0x39: {  	_ = 	snop  }
0x3a: {  	s13 =	sshra.s32 s13, $0x2  }
0x3b: {  	s13 =	sadd.s32 s13, s14  }
0x3c: {  	s16 =	sadd.s32 $0x20, s16;
	[tilespmem:s13+$0x810 ss:$0x81] =	vst.msk $0xffff, v1  }
.Ltmp4:
0x3d: {  	_ = 	snop;
	(pc) =	sbr.rel .LBB1_4-.Ltmp4, $1  }
0x3e: {  	_ =	sdelay $0x3  }
.LBB1_6:
0x3f: {  	_ =	sfence.sel $0x180000  }
0x40: {  	s2 =	simm.s32 $0x1;
	[bflag:$0x0] =	sbarrier.arrive $0xFFFF  }
0x41: {  	s31 =	simm.s32 $0x2;
	[sflag:s2] =	ssyncpa.u1 $0x1  }
0x42: {  	[sflag:s31] =	ssyncpa.u1 $0x1  }
0x43: {  	p0 =	sne.s32 s0, $0x0;
	_ =	strace $0x9000004A  }
0x44: {  	s0 =	sadd.s32 @!p0 $0x100000, s1;
	[bflag:$0x2] =	sbarrier.arrive $0xFFFF  }
0x45: {  	[sflag:s0] =	ssyncadd.tile.s32 @!p0 $0x1;
	_ =	shalt  }
.Lfunc_end1:
_tile_overlayer_lowered:
.L_overlay_start_2:
0x46: {  	(tag) =	ssettag $0x2  }
0x47: {  	s0 =	rddreg [dreg:$0x0];
	s2 =	stileid.u32  }
0x48: {  	s1 =	rddreg [dreg:$0x1];
	p0 =	sne.s32 s2, $0x0  }
0x49: {  	s3 =	rddreg [dreg:$0x2];
	[bflag:$0x3] =	sbarrier.arrive $0xFFFF;
	s2 =	simm.s32 @!p0 $0x1C01  }
0x4a: {  	[timem:s3], [sflag:s2] =	dma.local @!p0 [hbm:s0], s1  }
0x4b: {  	s0 =	simm.s32 @!p0 $0x1  }
0x4c: {  	_ =	swait.ge @!p0 [sflag:s0], s1  }
0x4d: {  	s1 =	ssub.s32 @!p0 $0x0, s1;
	[sflag:s0] =	ssyncset.done @!p0 $0x0  }
0x4e: {  	[sflag:s0] =	ssyncadd.s32 @!p0 s1  }
0x4f: {  	[bflag:$0x3] =	sbarrier.arrive $0xFFFF  }
0x50: {  	_ =	shalt  }

// kernel: sparse-core-data-format-call.cloned.1.call-start
scs
called_computation_lowered:
.L_overlay_start_0:
0x0: {  	s2 =	sld [smem:$0x3FD9]  }
0x1: {  	s3 =	sld [smem:$0x3FFE];
	_ =	sdelay $0x1  }
0x2: {  	s1 =	srdreg.scid  }
0x3: {  	s0 =	sand.u32 $0x1, s1  }
0x4: {  	s18 =	sshll.u32 s0, $0xA;
	s2 =	sadd.s32 s3, s2  }
0x5: {  	s2 =	sadd.s32 s2, s18  }
0x6: {  	[smem:$0x3FC6] =	sst s2  }
0x7: {  	_ = 	snop  }
0x8: {  	s2 =	sld [smem:$0x3FD0];
	(tm) =	ssettm $0x1  }
0x9: {  	s19 =	sld [smem:$0x3FFB];
	_ =	sdelay $0x3  }
0xa: {  	_ =	strace s19  }
0xb: {  	s3 =	sld [smem:$0x3FFC];
	_ =	sdelay $0x3  }
0xc: {  	_ =	strace s3  }
0xd: {  	s3 =	sld [smem:$0x3FFD];
	_ =	sdelay $0x3  }
0xe: {  	_ =	strace s3  }
0xf: {  	_ =	strace $0x8FFFFFFF  }
0x10: {  	s20 =	sld [smem:$0x3FDB];
	_ =	sdelay $0x1  }
0x11: {  	s4 =	simm.s32 $_scs_section_size  }
0x12: {  	s5 =	simm.s32 $_size__tile_overlayer_lowered;
	s6 =	simm.s32 $_tile_overlayer_lowered  }
0x13: {  	s23 =	simm.s32 $0x1BFF;
	s22 =	sshll.u32 s6, $0x1;
	s3 =	sadd.s32 s4, s20  }
0x14: {  	s7 =	simm.s32 $0x0;
	s21 =	sshll.u32 s5, $0x1;
	s5 =	sadd.s32 s22, s3  }
0x15: {  	[timem:s7], [sflag:s23] =	dma.local [hbm:s5], s21  }
0x16: {  	_ =	swait.ge [sflag:s23], s21  }
0x17: {  	s4 =	ssub.s32 $0x0, s21;
	[sflag:s23] =	ssyncset.done $0x0  }
0x18: {  	[sflag:s23] =	ssyncadd.s32 s4;
	_ =	sdelay $0x1  }
0x19: {  	s24 =	simm.s32 $0x1B8B  }
0x1a: {  	_ =	swait.ge [sflag:s24], $0x1  }
0x1b: {  	[sflag:s24] =	ssyncset.done $0x0  }
0x1c: {  	s26 =	simm.s32 $0x1B8E;
	s25 =	sld [smem:$0x3FFE];
	[sflag:s24] =	ssyncadd.s32 $0xFFFFFFFF  }
0x1d: {  	s27 =	simm.s32 $execute0_lowered;
	[smem:$0x3FD2] =	sst s26  }
0x1e: {  	s5 =	sshll.u32 s27, $0x1;
	_ =	strace $0x8000004C;
	[dreg:$0x1] =	wrdreg $0xFFFFFFFF  }
0x1f: {  	s28 =	simm.s32 $_size_execute0_lowered;
	s3 =	sadd.s32 s3, s5;
	[dreg:$0x0] =	wrdreg $0x0  }
0x20: {  	s5 =	sshll.u32 s28, $0x1;
	[dreg:$0x2] =	wrdreg s3  }
0x21: {  	[dreg:$0x3] =	wrdreg s5  }
0x22: {  	[dreg:$0x4] =	wrdreg $0xC0  }
0x23: {  	_ =	task [dreg:s7], $0x5FFFF  }
0x24: {  	[dreg:$0x1] =	wrdreg $0xFFFFFFFF  }
0x25: {  	[dreg:$0x0] =	wrdreg $0x60  }
0x26: {  	[dreg:$0x2] =	wrdreg s25  }
0x27: {  	[dreg:$0x3] =	wrdreg s2  }
0x28: {  	[dreg:$0x4] =	wrdreg $0x9  }
0x29: {  	_ =	task.clear_ibuf [dreg:s7], $0x5FFFF;
	_ =	strace $0x9000004C  }
0x2a: {  	s29 =	simm.s32 $0x9;
	_ =	strace $0x8000004E  }
0x2b: {  	_ =	swait.ge [sflag:s29], $0x1  }
0x2c: {  	[sflag:s29] =	ssyncadd.s32 $0xFFFFFFFF  }
0x2d: {  	_ =	strace $0x9000004E  }
0x2e: {  	_ =	sfence  }
0x2f: {  	s30 =	sld [smem:$0x0];
	_ =	sdelay $0x2  }
0x30: {  	s31 =	sshll.u32 s1, $0xD;
	s1 =	sshrl.u32 s1, $0x2  }
0x31: {  	s3 =	sand.u32 $0x4000, s31;
	s1 =	sadd.s32 s1, s30  }
0x32: {  	s0 =	sor.u32 s3, s0;
	s1 =	sshll.u32 s1, $0x11  }
0x33: {  	s0 =	sor.u32 s1, s0  }
0x34: {  	s0 =	sadd.s32 $0x8F2B, s0  }
0x35: {  	[sflag:s0] =	ssyncadd.remote.s32 $0x1  }
0x36: {  	_ =	sfence.sel $0xFFFF  }
0x37: {  	[dreg:$0x0] =	wrdreg $0xFFFFFFFF;
	(pc) =	sbr.abs _section_cstart, $3  }
0x38: {  	[dreg:$0x1] =	wrdreg $0xFFFFFFFF  }
0x39: {  	_ =	task.clear_ibuf [dreg:s7], $0x2FFFF;
	_ =	strace $0x9FFFFFFF  }
0x3a: {  	(tm) =	ssettm $0x7FFFFFFF  }
0x3b: {  	_ =	shalt  }
tec
execute0_lowered:
.L_overlay_start_1:
0x0: {  	(tag) =	ssettag $0x1  }
0x1: {  	s8 =	rddreg [dreg:$0x0]  }
0x2: {  	s2 =	rddreg [dreg:$0x1];
	s1 =	stileid.u32  }
0x3: {  	s4 =	srdreg.scid;
	s0 =	rddreg [dreg:$0x2];
	_ =	strace $0x8000004D  }
0x4: {  	s9 =	simm.s32 $0x1;
	s31 =	simm.s32 $0x2;
	s16 =	simm.s32 $0x0  }
0x5: {  	s17 =	simm.s32 $0x0;
	s11 =	simm.s32 $0x0;
	s12 =	simm.s32 $0x0  }
0x6: {  	s15 =	simm.s32 $0x0;
	s3 =	sshll.u32 s1, $0x1;
	s4 =	sshll.u32 s4, $0x7  }
0x7: {  	s4 =	sand.u32 $0x80, s4;
	s5 =	ssub.s32 $0x20, s3;
	s14 =	smov.u32 s3  }
0x8: {  	s6 =	sshrl.u32 s5, $0x5;
	s5 =	sand.u32 $0x1E, s5;
	s7 =	ssub.s32 $0x4000, s4  }
0x9: {  	p0 =	sne.s32 s5, $0x0;
	s30 =	sshrl.u32 s7, $0x7;
	s7 =	sshrl.u32 s7, $0x8  }
.Ltmp0:
0xa: {  	s9 =	simm.s32 @!p0 $0x0;
	s10 =	sand.u32 $0x1, s30;
	(pc) =	sbr.rel .LBB1_1-.Ltmp0, $4  }
0xb: {  	s5 =	simm.s32 $0x1;
	s6 =	sadd.s32 s9, s6;
	s7 =	sadd.s32 s7, s10  }
0xc: {  	s13 =	smov.u32 s4;
	[sflag:s5] =	ssyncpa.u1 $0x0;
	s6 =	smul.u32 s6, s7  }
0xd: {  	p0 =	por $0x0, $0x0;
	[sflag:s31] =	ssyncpa.u1 $0x0;
	s10 =	simm.s32 $0x80000  }
0xe: {  	s7 =	sadd.s32 $0xC00, s8;
	s8 =	sadd.s32 $0x40C00, s8;
	s9 =	sadd.s32 $0x1, s6  }
.LBB1_7:
0xf: {  	p1 =	slt.u32 s15, $0x2  }
0x10: {  	s19 =	smov.u32 s17;
	p2 =	sgt.s32 @!p1 s17, $0x1E;
	s18 =	sshra.s32 @!p1 s17, $0x1F  }
0x11: {  	p3 =	sgt.s32 @!p1 s16, $0x3F80;
	s20 =	sshra.s32 @!p1 s16, $0x1F;
	p2 =	por !p2, p1  }
0x12: {  	s17 =	sand.u32 @!p1 s18, s17;
	p3 =	por !p3, p1;
	s18 =	smov.u32 s16  }
0x13: {  	s16 =	sand.u32 @!p1 s20, s16;
	s19 =	simm.s32 @p2 $0x1E;
	s18 =	simm.s32 @p3 $0x3F80  }
0x14: {  	s20 =	smov.u32 s14;
	s17 =	ssub.s32 @!p1 s19, s17;
	s16 =	ssub.s32 @!p1 s18, s16  }
0x15: {  	s18 =	sadd.s32 @!p1 $0xFFFFFFE2, s17;
	s17 =	ssub.s32 @!p1 $0x20, s17;
	s19 =	sadd.s32 @!p1 $0xFFFFC080, s16  }
0x16: {  	p2 =	sgt.s32 @!p1 s18, $0x1;
	s17 =	smul.u32 @!p1 $0x32, s17;
	p3 =	sgt.s32 @!p1 s19, $0x7F  }
0x17: {  	s16 =	ssub.s32 @!p1 $0x4000, s16;
	p2 =	por !p2, p1;
	p3 =	por !p3, p1  }
0x18: {  	s18 =	sadd.s32 $0x100, s13;
	s17 =	simm.s32 @!p2 $0x0;
	s16 =	simm.s32 @!p3 $0x0  }
0x19: {  	p2 =	sgt.s32 s18, $0x3FFF;
	s16 =	smul.u32 @!p1 s16, s17;
	s17 =	sadd.s32 $0x20, s14  }
0x1a: {  	s20 =	smov.u32 @p2 s17  }
0x1b: {  	s18 =	smov.u32 @p2 s4;
	p2 =	sgt.s32 s20, $0x1F  }
0x1c: {  	s20 =	smov.u32 @p2 s3;
	p2 =	sne.s32 s15, s9  }
.Ltmp1:
0x1d: {  	p0 =	por !p0, !p0;
	s19 =	simm.s32 @!p1 $0x2;
	(pc) =	sbr.rel @!p2 .LBB1_8-.Ltmp1, $4  }
0x1e: {  	s17 =	smov.u32 s12;
	s12 =	smov.u32 s14;
	s16 =	sand.u32 @!p1 $0x3FFFFFFE, s16  }
0x1f: {  	_ =	swait.ge @!p1 [sflag:s19], s16;
	s21 =	ssub.s32 @!p1 $0x0, s16;
	s16 =	smov.u32 s11  }
0x20: {  	s15 =	sadd.s32 $0x1, s15;
	s11 =	smov.u32 s13;
	[sflag:s19] =	ssyncset.done @!p1 $0x0  }
0x21: {  	s13 =	smov.u32 s18;
	s14 =	smov.u32 s20;
	[sflag:s19] =	ssyncadd.s32 @!p1 s21  }
.LBB1_1:
0x22: {  	p1 =	sge.u32 s15, s6  }
0x23: {  	s18 =	sxor.u32 @!p1 $0xFFFFFFFF, s15;
	s19 =	sshll.u32 @!p1 s14, $0x12  }
0x24: {  	s20 =	sshll.u32 @!p1 s13, $0x4;
	s22 =	simm.s32 @!p1 $0x40;
	s23 =	simm.s32 @!p1 $0x80  }
0x25: {  	s18 =	sshll.u32 @!p1 s18, $0xE;
	s20 =	sand.u32 @!p1 $0x3FFF0, s20;
	s21 =	sadd.s32 @!p1 s7, s19  }
0x26: {  	s19 =	sadd.s32 @!p1 s19, s8;
	s18 =	sand.u32 @!p1 $0x4000, s18;
	s21 =	sadd.s32 @!p1 s20, s21  }
0x27: {  	[tilespmem:s18], [sflag:$0x1] =	stream.strided.gather @!p1 [hbm4b:s21+s22], $0x2000, s23, s22, $0x38;
	[tilespmem:$0x10100] =	vst v63  }
0x28: {  	s31 =	sadd.s32 $0xFFFFFFFF, s15;
	s19 =	sadd.s32 @!p1 s20, s19;
	s18 =	sor.u32 @!p1 $0x2000, s18  }
0x29: {  	[tilespmem:s18], [sflag:$0x1] =	stream.strided.gather @!p1 [hbm4b:s19+s22], $0x2000, s23, s22, $0x38;
	[tilespmem:$0x10100] =	vst v63  }
0x2a: {  	p1 =	sge.u32 s31, s6  }
.Ltmp2:
0x2b: {  	_ = 	snop;
	(pc) =	sbr.rel @p1 .LBB1_7-.Ltmp2, $1  }
0x2c: {  	_ =	sdelay $0x3  }
0x2d: {  	s18 =	simm.s32 $0x1;
	s20 =	sand.u32 $0x1, s15  }
0x2e: {  	_ =	swait.ge [sflag:s5], $0x4000;
	s18 =	simm.s32 @!p0 $0x0;
	s20 =	smul.u32 $0x10200, s20  }
0x2f: {  	p2 =	por $0x1, $0x1;
	[sflag:s5] =	ssyncset.done $0x0;
	s19 =	smul.u32 $0x10200, s18  }
0x30: {  	s21 =	sshll.u32 s18, $0x10;
	[sflag:s5] =	ssyncadd.s32 $0xFFFFC000;
	s30 =	sshrl.u32 s20, $0x2  }
0x31: {  	s31 =	sshrl.u32 s21, $0x2;
	s21 =	simm.s32 $0x0;
	s19 =	sshrl.u32 s19, $0x2  }
0x32: {  	s18 =	sor.u32 $0x8000, s30;
	s20 =	sadd.s32 $0x20, s31;
	s19 =	sor.u32 $0x8000, s19  }
.LBB1_3:
0x33: {  	s22 =	sshll.u32 s21, $0xD  }
0x34: {  	s22 =	sand.u32 $0x3FFFE000, s22  }
0x35: {  	s24 =	sadd.s32 s22, s20  }
0x36: {  	s31 =	smul.u32 $0x204, s21;
	v3 =	vld [tilespmem:s24+$0x10]  }
0x37: {  	v1 =	vld [tilespmem:s24+$0xFFFFFFF0]  }
0x38: {  	s21 =	sshra.s32 s31, $0x2;
	v0 =	vld [tilespmem:s24+$0x0]  }
0x39: {  	s21 =	sadd.s32 s21, s19;
	v2 =	vld [tilespmem:s24+$0xFFFFFFE0]  }
0x3a: {  	s22 =	sadd.s32 $0x0, s21  }
0x3b: {  	p1 =	por p2, p2;
	s23 =	simm.s32 $0x4;
	s24 =	sadd.s32 $0x40, s24;
	[tilespmem:s22+$0x3060 ss:$0x102] =	vst.msk $0xffff, v3  }
.LBB1_4:
0x3c: {  	v3 =	vld [tilespmem:s24+$0x10];
	p2 =	sne.s32 s23, $0x1FC;
	[tilespmem:s22+$0x1020 ss:$0x102] =	vst.msk $0xffff, v1;
	s25 =	smov.u32 s23;
	s23 =	sadd.s32 $0x4, s23  }
.Ltmp3:
0x3d: {  	v1 =	vld [tilespmem:s24+$0xFFFFFFF0];
	[tilespmem:s22+$0x2040 ss:$0x102] =	vst.msk $0xffff, v0;
	(pc) =	sbr.rel @p2 .LBB1_4-.Ltmp3, $4  }
0x3e: {  	v0 =	vld [tilespmem:s24+$0x0];
	[tilespmem:s22+$0x0 ss:$0x102] =	vst.msk $0xffff, v2  }
0x3f: {  	s22 =	sshra.s32 s25, $0x2;
	v2 =	vld [tilespmem:s24+$0xFFFFFFE0]  }
0x40: {  	s22 =	sadd.s32 s22, s21  }
0x41: {  	s24 =	sadd.s32 $0x40, s24;
	[tilespmem:s22+$0x3060 ss:$0x102] =	vst.msk $0xffff, v3  }
.Ltmp4:
0x42: {  	(pc) =	sbr.rel @p1 .LBB1_3-.Ltmp4, $4  }
0x43: {  	_ = 	snop  }
0x44: {  	[tilespmem:s22+$0x1020 ss:$0x102] =	vst.msk $0xffff, v1  }
0x45: {  	[tilespmem:s22+$0x2040 ss:$0x102] =	vst.msk $0xffff, v0  }
0x46: {  	s21 =	simm.s32 $0x1;
	p2 =	por $0x0, $0x0;
	[tilespmem:s22+$0x0 ss:$0x102] =	vst.msk $0xffff, v2  }
0x47: {  	s19 =	sand.u32 $0x78, s11;
	p1 =	sgt.s32 s12, $0x1E;
	s20 =	smov.u32 s12  }
0x48: {  	s21 =	sshra.s32 s12, $0x1F;
	s22 =	sshll.u32 s12, $0xE;
	s23 =	sshll.u32 s11, $0x3  }
0x49: {  	s30 =	sshra.s32 s11, $0x1F;
	s25 =	sshll.u32 s12, $0x7;
	s20 =	simm.s32 @!p1 $0x1E  }
0x4a: {  	s21 =	sand.u32 s21, s12;
	s22 =	sand.u32 $0x60000, s22;
	p1 =	sgt.s32 s11, $0x3F80  }
0x4b: {  	s25 =	sand.u32 $0x380, s25;
	s20 =	ssub.s32 s20, s21;
	s21 =	smov.u32 s11  }
0x4c: {  	s22 =	sadd.s32 s22, s23;
	s24 =	sadd.s32 $0xFFFFFFE2, s20;
	s21 =	simm.s32 @!p1 $0x3F80  }
0x4d: {  	s20 =	ssub.s32 $0x20, s20;
	p1 =	sgt.s32 s24, $0x1;
	s24 =	sand.u32 s30, s11  }
0x4e: {  	s23 =	sand.u32 $0x3C00, s23;
	s20 =	smul.u32 $0x32, s20;
	s21 =	ssub.s32 s21, s24  }
0x4f: {  	s19 =	sor.u32 s25, s19;
	s22 =	sand.u32 $0x7C000, s22;
	s24 =	sadd.s32 $0xFFFFC080, s21  }
0x50: {  	s20 =	simm.s32 @p1 $0x0;
	s21 =	ssub.s32 $0x4000, s21;
	p1 =	sgt.s32 s24, $0x7F  }
.Ltmp5:
0x51: {  	s19 =	sor.u32 s23, s19;
	s21 =	simm.s32 @p1 $0x0;
	(pc) =	sbr.rel .LBB1_7-.Ltmp5, $4  }
0x52: {  	s31 =	sand.u32 $0x7, s11;
	s19 =	sor.u32 s22, s19;
	s20 =	smul.u32 s21, s20  }
0x53: {  	s19 =	sshrl.u32 s19, $0x3;
	s21 =	sshll.u32 s31, $0x12  }
0x54: {  	s19 =	sadd.s32 s2, s19;
	s21 =	sor.u32 $0x100, s21;
	s20 =	sand.u32 $0x3FFFFFFE, s20  }
0x55: {  	[hbm4b:s19+s21] =	stream.strided.scatter [tilespmem:s18], [sflag:$0x2], s20, s10, s21, $0x20;
	[tilespmem:$0x10100] =	vst v63  }
.LBB1_8:
0x56: {  	_ =	sfence.sel $0x180000  }
0x57: {  	s2 =	simm.s32 $0x1;
	[bflag:$0x0] =	sbarrier.arrive $0xFFFF  }
0x58: {  	s31 =	simm.s32 $0x2;
	[sflag:s2] =	ssyncpa.u1 $0x1  }
0x59: {  	[sflag:s31] =	ssyncpa.u1 $0x1  }
0x5a: {  	p0 =	sne.s32 s1, $0x0;
	_ =	strace $0x9000004D  }
0x5b: {  	s0 =	sadd.s32 @!p0 $0x100000, s0;
	[bflag:$0x2] =	sbarrier.arrive $0xFFFF  }
0x5c: {  	[sflag:s0] =	ssyncadd.tile.s32 @!p0 $0x1;
	_ =	shalt  }
.Lfunc_end1:
_tile_overlayer_lowered:
.L_overlay_start_2:
0x5d: {  	(tag) =	ssettag $0x2  }
0x5e: {  	s0 =	rddreg [dreg:$0x0];
	s2 =	stileid.u32  }
0x5f: {  	s1 =	rddreg [dreg:$0x1];
	p0 =	sne.s32 s2, $0x0  }
0x60: {  	s3 =	rddreg [dreg:$0x2];
	[bflag:$0x3] =	sbarrier.arrive $0xFFFF;
	s2 =	simm.s32 @!p0 $0x1C01  }
0x61: {  	[timem:s3], [sflag:s2] =	dma.local @!p0 [hbm:s0], s1  }
0x62: {  	s0 =	simm.s32 @!p0 $0x1  }
0x63: {  	_ =	swait.ge @!p0 [sflag:s0], s1  }
0x64: {  	s1 =	ssub.s32 @!p0 $0x0, s1;
	[sflag:s0] =	ssyncset.done @!p0 $0x0  }
0x65: {  	[sflag:s0] =	ssyncadd.s32 @!p0 s1  }
0x66: {  	[bflag:$0x3] =	sbarrier.arrive $0xFFFF  }
0x67: {  	_ =	shalt  }

</sc_bundles>
